<compile_context>
chip_gen: v7x
topology: tpu7x:2x2x1
jax: 0.10.2.dev20260603
libtpu: 0.0.44.dev20260713+nightly
codegen_flags: <defaults>
</compile_context>

<pallas_src>
import jax
import jax.numpy as jnp
from jax import lax
from jax.experimental import pallas as pl
from jax.experimental.pallas import tpu as pltpu
from jax.experimental.pallas import tpu_sc as plsc

N = 65536
OUT = 2 * N
NC = 2
NS = 16
NW = NC * NS
L = 16
C = OUT // NW
SCAN = N // NS
YB = C + L
SENT = N


def _sc_body(x_hbm, y_hbm, out_hbm, xscan, ybuf, obuf, minbuf, allbuf,
             pshared, sem0, sem1):
    c_id = lax.axis_index("c")
    s_id = lax.axis_index("s")
    wid = c_id * NS + s_id
    lane = lax.iota(jnp.int32, L)

    scan_base = s_id * SCAN
    half = SCAN // 2
    cp0 = pltpu.async_copy(
        x_hbm.at[pl.ds(pl.multiple_of(scan_base, SCAN), half)],
        xscan.at[pl.ds(0, half)], sem0)
    cp1 = pltpu.async_copy(
        x_hbm.at[pl.ds(pl.multiple_of(scan_base + half, half), half)],
        xscan.at[pl.ds(half, half)], sem1)

    infv = jnp.full((L,), jnp.inf, jnp.float32)
    cp0.wait()

    @plsc.parallel_loop(0, half, step=L, unroll=8,
                        carry=jnp.full((L,), SENT, jnp.int32))
    def mv0(i, acc):
        v = xscan[pl.ds(i, L)]
        cand = jnp.where(jnp.abs(v) == jnp.inf, i, jnp.int32(SENT))
        return jnp.minimum(acc, cand)

    cp1.wait()

    @plsc.parallel_loop(half, SCAN, step=L, unroll=8, carry=mv0)
    def mv(i, acc):
        v = xscan[pl.ds(i, L)]
        cand = jnp.where(jnp.abs(v) == jnp.inf, i, jnp.int32(SENT))
        return jnp.minimum(acc, cand)

    minbuf[...] = jnp.minimum(scan_base + mv + lane, jnp.int32(SENT))
    pltpu.sync_copy(minbuf, pshared.at[s_id])
    plsc.subcore_barrier()
    pltpu.sync_copy(pshared, allbuf)
    m = allbuf[0, :]
    for k in range(1, NS):
        m = jnp.minimum(m, allbuf[k, :])
    pmin = m[0]
    for k in range(1, L):
        pmin = jnp.minimum(pmin, m[k])
    p = jnp.where(pmin == jnp.int32(SENT), jnp.int32(0), pmin)
    p_hi = p + N

    s_out = wid * C
    q = s_out - p
    is_x = s_out + C <= p
    is_y = ((q >= 0) & (q + C <= N) & ((q & (L - 1)) == 0)
            & jnp.logical_not(is_x))
    is_inf = q >= N
    is_gen = jnp.logical_not(is_x | is_y | is_inf)
    out_chunk = out_hbm.at[pl.ds(pl.multiple_of(s_out, C), C)]

    @pl.when(is_x)
    def _():
        pltpu.sync_copy(xscan, out_chunk)

    @pl.when(is_y)
    def _():
        qa = pl.multiple_of(jnp.clip(q, 0, N - C), L)
        pltpu.sync_copy(y_hbm.at[pl.ds(qa, C)], ybuf.at[pl.ds(0, C)])
        pltpu.sync_copy(ybuf.at[pl.ds(0, C)], out_chunk)

    @pl.when(is_inf)
    def _():
        @plsc.parallel_loop(0, C, step=L, unroll=8)
        def _(i):
            obuf[pl.ds(i, L)] = infv

        pltpu.sync_copy(obuf, out_chunk)

    @pl.when(is_gen)
    def _():
        q_c = pl.multiple_of(jnp.clip(q & ~(L - 1), 0, N - YB), L)
        r = q - q_c
        pltpu.sync_copy(y_hbm.at[pl.ds(q_c, YB)], ybuf)

        @plsc.parallel_loop(0, C, step=L, unroll=8)
        def _(i):
            bl = i + lane
            i_vec = s_out + bl
            xv = xscan[pl.ds(i, L)]
            y_idx = jnp.clip(bl + r, 0, YB - 1)
            yv = plsc.load_gather(ybuf, [y_idx])
            obuf[pl.ds(i, L)] = jnp.where(
                i_vec < p, xv, jnp.where(i_vec < p_hi, yv, infv))

        pltpu.sync_copy(obuf, out_chunk)


@jax.jit
def kernel(x, y):
    mesh = plsc.VectorSubcoreMesh(core_axis_name="c", subcore_axis_name="s")
    run = pl.kernel(
        _sc_body,
        out_type=jax.ShapeDtypeStruct((OUT,), jnp.float32),
        mesh=mesh,
        compiler_params=pltpu.CompilerParams(needs_layout_passes=False),
        scratch_types=[
            pltpu.VMEM((SCAN,), jnp.float32),
            pltpu.VMEM((YB,), jnp.float32),
            pltpu.VMEM((C,), jnp.float32),
            pltpu.VMEM((L,), jnp.int32),
            pltpu.VMEM((NS, L), jnp.int32),
            pltpu.VMEM_SHARED((NS, L), jnp.int32),
            pltpu.SemaphoreType.DMA,
            pltpu.SemaphoreType.DMA,
        ],
    )
    return run(x, y)

# --- scband reference (transcript-rebuilt; emitter-appended) ---
"""Pipeline reference for scband-array-with-padding-65919158059037 (READ-ONLY COPY).

The authoritative reference and input builder live on the scoring server;
editing this copy changes nothing except your own understanding.
"""

import jax, jax.numpy as jnp
import numpy as np

N = 65536
VALID = 32768

def setup_inputs(seed: int = 0) -> dict:
    key = jax.random.key(seed)
    k1, k2 = jax.random.split(key)
    x = jax.random.normal(k1, (N,), dtype=jnp.float32)
    x = x.at[VALID:].set(jnp.inf)
    y = jax.random.normal(k2, (N,), dtype=jnp.float32)
    y = y.at[VALID:].set(jnp.inf)
    return {"x": x, "y": y}

def reference(x, y):
    # Faithful translation of array_with_padding(x).concat(array_with_padding(y)).__call__()
    # __init__ metadata for x
    padding_size = x.size - jnp.argmax(jnp.isinf(x) * 1)
    # concat: build inf-padded buffer, write x, splice y at the first-padding boundary of x
    z = jnp.ones(x.size + y.size, dtype=x.dtype) * jnp.inf
    z = z.at[0:x.size].set(x)
    concatenated_arr = jax.lax.dynamic_update_slice(z, y, [x.size - padding_size])
    # resulting array_with_padding's __call__ returns the stored array
    return concatenated_arr

if __name__ == "__main__":
    import jax
    _d = setup_inputs()
    print(jax.jit(kernel)(*tuple(_d.values())))

</pallas_src>

<mosaic_0001>
#map = affine_map<(d0, d1) -> (0)>
module attributes {stable_mosaic.version = 14 : i64} {
  func.func @_sc_body(%arg0: i32, %arg1: i32, %arg2: memref<65536xf32, #tpu.memory_space<hbm>>, %arg3: memref<65536xf32, #tpu.memory_space<hbm>>, %arg4: memref<131072xf32, #tpu.memory_space<hbm>>, %arg5: memref<4096xf32, #tpu.memory_space<vmem>>, %arg6: memref<4112xf32, #tpu.memory_space<vmem>>, %arg7: memref<4096xf32, #tpu.memory_space<vmem>>, %arg8: memref<16xi32, #tpu.memory_space<vmem>>, %arg9: memref<16x16xi32, #tpu.memory_space<vmem>>, %arg10: memref<16x16xi32, #tpu.memory_space<vmem_shared>>, %arg11: memref<!tpu.dma_semaphore, #tpu.memory_space<semaphore_mem>>, %arg12: memref<!tpu.dma_semaphore, #tpu.memory_space<semaphore_mem>>) attributes {dimension_semantics = [#tpu.dimension_semantics<core_parallel>, #tpu.dimension_semantics<subcore_parallel>], iteration_bounds = array<i64: 2, 16>, scalar_prefetch = 0 : i64, scratch_operands = 8 : i64, tpu.core_type = #tpu.core_type<sc_vector_subcore>, window_params = [{transform_indices = #map}, {transform_indices = #map}, {transform_indices = #map}]} {
    %mul3A = arith.constant 16 : i32
    %mul3A_0 = arith.muli %arg0, %mul3A : i32
    %add3A = arith.addi %mul3A_0, %arg1 : i32
    %iota3A = tpu.iota {dimensions = array<i32: 0>} : vector<16xi32>
    %mul3A_1 = arith.constant 4096 : i32
    %mul3A_2 = arith.muli %arg1, %mul3A_1 : i32
    %multiple_of3A = tpu.assume_multiple %mul3A_2, 4096 : i32
    %dma_start3A = arith.constant 0 : i32
    %dma_start3A_3 = tpu.memref_slice %arg5[%dma_start3A] : memref<4096xf32, #tpu.memory_space<vmem>> -> memref<2048xf32, #tpu.memory_space<vmem>>
    %dma_start3A_4 = tpu.memref_slice %arg2[%multiple_of3A] : memref<65536xf32, #tpu.memory_space<hbm>> -> memref<2048xf32, #tpu.memory_space<hbm>>
    %dma_start3A_5 = arith.constant 0 : i32
    %dma_start3A_6 = tpu.memref_slice %arg5[%dma_start3A_5] : memref<4096xf32, #tpu.memory_space<vmem>> -> memref<2048xf32, #tpu.memory_space<vmem>>
    %dma_start3A_7 = tpu.memref_slice %arg2[%multiple_of3A] : memref<65536xf32, #tpu.memory_space<hbm>> -> memref<2048xf32, #tpu.memory_space<hbm>>
    tpu.enqueue_dma source(%dma_start3A_7 : memref<2048xf32, #tpu.memory_space<hbm>>) target(%dma_start3A_6 : memref<2048xf32, #tpu.memory_space<vmem>>) target_semaphore(%arg11 : memref<!tpu.dma_semaphore, #tpu.memory_space<semaphore_mem>>)
    %add3A_8 = arith.constant 2048 : i32
    %add3A_9 = arith.addi %mul3A_2, %add3A_8 : i32
    %multiple_of3A_10 = tpu.assume_multiple %add3A_9, 2048 : i32
    %dma_start3A_11 = arith.constant 2048 : i32
    %dma_start3A_12 = tpu.memref_slice %arg5[%dma_start3A_11] : memref<4096xf32, #tpu.memory_space<vmem>> -> memref<2048xf32, #tpu.memory_space<vmem>>
    %dma_start3A_13 = tpu.memref_slice %arg2[%multiple_of3A_10] : memref<65536xf32, #tpu.memory_space<hbm>> -> memref<2048xf32, #tpu.memory_space<hbm>>
    %dma_start3A_14 = arith.constant 2048 : i32
    %dma_start3A_15 = tpu.memref_slice %arg5[%dma_start3A_14] : memref<4096xf32, #tpu.memory_space<vmem>> -> memref<2048xf32, #tpu.memory_space<vmem>>
    %dma_start3A_16 = tpu.memref_slice %arg2[%multiple_of3A_10] : memref<65536xf32, #tpu.memory_space<hbm>> -> memref<2048xf32, #tpu.memory_space<hbm>>
    tpu.enqueue_dma source(%dma_start3A_16 : memref<2048xf32, #tpu.memory_space<hbm>>) target(%dma_start3A_15 : memref<2048xf32, #tpu.memory_space<vmem>>) target_semaphore(%arg12 : memref<!tpu.dma_semaphore, #tpu.memory_space<semaphore_mem>>)
    %broadcast_in_dim3A = arith.constant 0x7F800000 : f32
    %broadcast_in_dim3A_17 = vector.broadcast %broadcast_in_dim3A : f32 to vector<16xf32>
    %dma_wait3A = arith.constant 0 : i32
    %dma_wait3A_18 = tpu.memref_slice %arg5[%dma_wait3A] : memref<4096xf32, #tpu.memory_space<vmem>> -> memref<2048xf32, #tpu.memory_space<vmem>>
    %dma_wait3A_19 = tpu.memref_slice %arg2[%multiple_of3A] : memref<65536xf32, #tpu.memory_space<hbm>> -> memref<2048xf32, #tpu.memory_space<hbm>>
    %dma_wait3A_20 = arith.constant 0 : i32
    %dma_wait3A_21 = tpu.memref_slice %arg5[%dma_wait3A_20] : memref<4096xf32, #tpu.memory_space<vmem>> -> memref<2048xf32, #tpu.memory_space<vmem>>
    %dma_wait3A_22 = tpu.memref_slice %arg2[%multiple_of3A] : memref<65536xf32, #tpu.memory_space<hbm>> -> memref<2048xf32, #tpu.memory_space<hbm>>
    tpu.wait_dma2 semaphore(%arg11 : memref<!tpu.dma_semaphore, #tpu.memory_space<semaphore_mem>>) src(%dma_wait3A_22 : memref<2048xf32, #tpu.memory_space<hbm>>) dst(%dma_wait3A_21 : memref<2048xf32, #tpu.memory_space<vmem>>)
    %broadcast_in_dim3A_23 = arith.constant 65536 : i32
    %broadcast_in_dim3A_24 = vector.broadcast %broadcast_in_dim3A_23 : i32 to vector<16xi32>
    %parallel_loop3A = arith.constant 0 : i32
    %parallel_loop3A_25 = arith.constant 2048 : i32
    %parallel_loop3A_26 = arith.constant 16 : i32
    %parallel_loop3A_27 = scf.for %parallel_loop3A_202 = %parallel_loop3A to %parallel_loop3A_25 step %parallel_loop3A_26 iter_args(%parallel_loop3A_203 = %broadcast_in_dim3A_24) -> (vector<16xi32>)  : i32 {
      %parallel_loop3A_204 = arith.index_cast %parallel_loop3A_202 : i32 to index
      %parallel_loop3A_205 = tpu.vector_load %arg5[%parallel_loop3A_204] {strides = array<i32>} : memref<4096xf32, #tpu.memory_space<vmem>>, vector<16xf32>,
      %parallel_loop3A_206 = math.absf %parallel_loop3A_205 : vector<16xf32>
      %parallel_loop3A_207 = arith.constant 0x7F800000 : f32
      %parallel_loop3A_208 = vector.broadcast %parallel_loop3A_207 : f32 to vector<16xf32>
      %parallel_loop3A_209 = arith.cmpf oeq, %parallel_loop3A_206, %parallel_loop3A_208 : vector<16xf32>
      %parallel_loop3A_210 = arith.constant 65536 : i32
      %parallel_loop3A_211 = vector.broadcast %parallel_loop3A_202 : i32 to vector<16xi32>
      %parallel_loop3A_212 = vector.broadcast %parallel_loop3A_210 : i32 to vector<16xi32>
      %parallel_loop3A_213 = arith.select %parallel_loop3A_209, %parallel_loop3A_211, %parallel_loop3A_212 : vector<16xi1>, vector<16xi32>
      %parallel_loop3A_214 = arith.minsi %parallel_loop3A_203, %parallel_loop3A_213 : vector<16xi32>
      scf.yield %parallel_loop3A_214 : vector<16xi32>
    } {sc.loop_unroll_factor = 8 : i64, sc.parallel_access}
    %dma_wait3A_28 = arith.constant 2048 : i32
    %dma_wait3A_29 = tpu.memref_slice %arg5[%dma_wait3A_28] : memref<4096xf32, #tpu.memory_space<vmem>> -> memref<2048xf32, #tpu.memory_space<vmem>>
    %dma_wait3A_30 = tpu.memref_slice %arg2[%multiple_of3A_10] : memref<65536xf32, #tpu.memory_space<hbm>> -> memref<2048xf32, #tpu.memory_space<hbm>>
    %dma_wait3A_31 = arith.constant 2048 : i32
    %dma_wait3A_32 = tpu.memref_slice %arg5[%dma_wait3A_31] : memref<4096xf32, #tpu.memory_space<vmem>> -> memref<2048xf32, #tpu.memory_space<vmem>>
    %dma_wait3A_33 = tpu.memref_slice %arg2[%multiple_of3A_10] : memref<65536xf32, #tpu.memory_space<hbm>> -> memref<2048xf32, #tpu.memory_space<hbm>>
    tpu.wait_dma2 semaphore(%arg12 : memref<!tpu.dma_semaphore, #tpu.memory_space<semaphore_mem>>) src(%dma_wait3A_33 : memref<2048xf32, #tpu.memory_space<hbm>>) dst(%dma_wait3A_32 : memref<2048xf32, #tpu.memory_space<vmem>>)
    %parallel_loop3A_34 = arith.constant 2048 : i32
    %parallel_loop3A_35 = arith.constant 4096 : i32
    %parallel_loop3A_36 = arith.constant 16 : i32
    %parallel_loop3A_37 = scf.for %parallel_loop3A_202 = %parallel_loop3A_34 to %parallel_loop3A_35 step %parallel_loop3A_36 iter_args(%parallel_loop3A_203 = %parallel_loop3A_27) -> (vector<16xi32>)  : i32 {
      %parallel_loop3A_204 = arith.index_cast %parallel_loop3A_202 : i32 to index
      %parallel_loop3A_205 = tpu.vector_load %arg5[%parallel_loop3A_204] {strides = array<i32>} : memref<4096xf32, #tpu.memory_space<vmem>>, vector<16xf32>,
      %parallel_loop3A_206 = math.absf %parallel_loop3A_205 : vector<16xf32>
      %parallel_loop3A_207 = arith.constant 0x7F800000 : f32
      %parallel_loop3A_208 = vector.broadcast %parallel_loop3A_207 : f32 to vector<16xf32>
      %parallel_loop3A_209 = arith.cmpf oeq, %parallel_loop3A_206, %parallel_loop3A_208 : vector<16xf32>
      %parallel_loop3A_210 = arith.constant 65536 : i32
      %parallel_loop3A_211 = vector.broadcast %parallel_loop3A_202 : i32 to vector<16xi32>
      %parallel_loop3A_212 = vector.broadcast %parallel_loop3A_210 : i32 to vector<16xi32>
      %parallel_loop3A_213 = arith.select %parallel_loop3A_209, %parallel_loop3A_211, %parallel_loop3A_212 : vector<16xi1>, vector<16xi32>
      %parallel_loop3A_214 = arith.minsi %parallel_loop3A_203, %parallel_loop3A_213 : vector<16xi32>
      scf.yield %parallel_loop3A_214 : vector<16xi32>
    } {sc.loop_unroll_factor = 8 : i64, sc.parallel_access}
    %add3A_38 = vector.broadcast %mul3A_2 : i32 to vector<16xi32>
    %add3A_39 = arith.addi %add3A_38, %parallel_loop3A_37 : vector<16xi32>
    %add3A_40 = arith.addi %add3A_39, %iota3A : vector<16xi32>
    %min3A = arith.constant 65536 : i32
    %min3A_41 = vector.broadcast %min3A : i32 to vector<16xi32>
    %min3A_42 = arith.minsi %add3A_40, %min3A_41 : vector<16xi32>
    %swap3A = arith.constant 0 : index
    %swap3A_43 = tpu.vector_load %arg8[%swap3A] {strides = array<i32>} : memref<16xi32, #tpu.memory_space<vmem>>, vector<16xi32>,
    tpu.vector_store %arg8[%swap3A], %min3A_42 {strides = array<i32>} : memref<16xi32, #tpu.memory_space<vmem>>, vector<16xi32>,
    "tpu.region"() ({
      %run_scoped3A = tpu.sem_alloc : memref<!tpu.dma_semaphore, #tpu.memory_space<semaphore_mem>>
      %dma_start3A_202 = arith.constant 0 : i32
      %dma_start3A_203 = tpu.memref_slice %arg10[%arg1, %dma_start3A_202] : memref<16x16xi32, #tpu.memory_space<vmem_shared>> -> memref<1x16xi32, #tpu.memory_space<vmem_shared>>
      %dma_start3A_204 = tpu.memref_squeeze %dma_start3A_203 : memref<1x16xi32, #tpu.memory_space<vmem_shared>> -> memref<16xi32, #tpu.memory_space<vmem_shared>>
      %dma_start3A_205 = arith.constant 0 : i32
      %dma_start3A_206 = tpu.memref_slice %arg10[%arg1, %dma_start3A_205] : memref<16x16xi32, #tpu.memory_space<vmem_shared>> -> memref<1x16xi32, #tpu.memory_space<vmem_shared>>
      %dma_start3A_207 = tpu.memref_squeeze %dma_start3A_206 : memref<1x16xi32, #tpu.memory_space<vmem_shared>> -> memref<16xi32, #tpu.memory_space<vmem_shared>>
      tpu.enqueue_dma source(%arg8 : memref<16xi32, #tpu.memory_space<vmem>>) target(%dma_start3A_207 : memref<16xi32, #tpu.memory_space<vmem_shared>>) target_semaphore(%run_scoped3A : memref<!tpu.dma_semaphore, #tpu.memory_space<semaphore_mem>>)
      %dma_wait3A_208 = arith.constant 0 : i32
      %dma_wait3A_209 = tpu.memref_slice %arg10[%arg1, %dma_wait3A_208] : memref<16x16xi32, #tpu.memory_space<vmem_shared>> -> memref<1x16xi32, #tpu.memory_space<vmem_shared>>
      %dma_wait3A_210 = tpu.memref_squeeze %dma_wait3A_209 : memref<1x16xi32, #tpu.memory_space<vmem_shared>> -> memref<16xi32, #tpu.memory_space<vmem_shared>>
      %dma_wait3A_211 = arith.constant 0 : i32
      %dma_wait3A_212 = tpu.memref_slice %arg10[%arg1, %dma_wait3A_211] : memref<16x16xi32, #tpu.memory_space<vmem_shared>> -> memref<1x16xi32, #tpu.memory_space<vmem_shared>>
      %dma_wait3A_213 = tpu.memref_squeeze %dma_wait3A_212 : memref<1x16xi32, #tpu.memory_space<vmem_shared>> -> memref<16xi32, #tpu.memory_space<vmem_shared>>
      tpu.wait_dma2 semaphore(%run_scoped3A : memref<!tpu.dma_semaphore, #tpu.memory_space<semaphore_mem>>) src(%arg8 : memref<16xi32, #tpu.memory_space<vmem>>) dst(%dma_wait3A_213 : memref<16xi32, #tpu.memory_space<vmem_shared>>)
      tpu.yield
    }) : () -> ()
    %barrier3A = arith.constant 0 : index
    tpu.barrier barrier_id(%barrier3A)
    "tpu.region"() ({
      %run_scoped3A = tpu.sem_alloc : memref<!tpu.dma_semaphore, #tpu.memory_space<semaphore_mem>>
      tpu.enqueue_dma source(%arg10 : memref<16x16xi32, #tpu.memory_space<vmem_shared>>) target(%arg9 : memref<16x16xi32, #tpu.memory_space<vmem>>) target_semaphore(%run_scoped3A : memref<!tpu.dma_semaphore, #tpu.memory_space<semaphore_mem>>)
      tpu.wait_dma2 semaphore(%run_scoped3A : memref<!tpu.dma_semaphore, #tpu.memory_space<semaphore_mem>>) src(%arg10 : memref<16x16xi32, #tpu.memory_space<vmem_shared>>) dst(%arg9 : memref<16x16xi32, #tpu.memory_space<vmem>>)
      tpu.yield
    }) : () -> ()
    %get3A = arith.constant 0 : i32
    %get3A_44 = arith.index_cast %get3A : i32 to index
    %get3A_45 = arith.constant 0 : index
    %get3A_46 = tpu.vector_load %arg9[%get3A_44, %get3A_45] {strides = array<i32>} : memref<16x16xi32, #tpu.memory_space<vmem>>, vector<16xi32>,
    %get3A_47 = arith.constant 1 : i32
    %get3A_48 = arith.index_cast %get3A_47 : i32 to index
    %get3A_49 = arith.constant 0 : index
    %get3A_50 = tpu.vector_load %arg9[%get3A_48, %get3A_49] {strides = array<i32>} : memref<16x16xi32, #tpu.memory_space<vmem>>, vector<16xi32>,
    %min3A_51 = arith.minsi %get3A_46, %get3A_50 : vector<16xi32>
    %get3A_52 = arith.constant 2 : i32
    %get3A_53 = arith.index_cast %get3A_52 : i32 to index
    %get3A_54 = arith.constant 0 : index
    %get3A_55 = tpu.vector_load %arg9[%get3A_53, %get3A_54] {strides = array<i32>} : memref<16x16xi32, #tpu.memory_space<vmem>>, vector<16xi32>,
    %min3A_56 = arith.minsi %min3A_51, %get3A_55 : vector<16xi32>
    %get3A_57 = arith.constant 3 : i32
    %get3A_58 = arith.index_cast %get3A_57 : i32 to index
    %get3A_59 = arith.constant 0 : index
    %get3A_60 = tpu.vector_load %arg9[%get3A_58, %get3A_59] {strides = array<i32>} : memref<16x16xi32, #tpu.memory_space<vmem>>, vector<16xi32>,
    %min3A_61 = arith.minsi %min3A_56, %get3A_60 : vector<16xi32>
    %get3A_62 = arith.constant 4 : i32
    %get3A_63 = arith.index_cast %get3A_62 : i32 to index
    %get3A_64 = arith.constant 0 : index
    %get3A_65 = tpu.vector_load %arg9[%get3A_63, %get3A_64] {strides = array<i32>} : memref<16x16xi32, #tpu.memory_space<vmem>>, vector<16xi32>,
    %min3A_66 = arith.minsi %min3A_61, %get3A_65 : vector<16xi32>
    %get3A_67 = arith.constant 5 : i32
    %get3A_68 = arith.index_cast %get3A_67 : i32 to index
    %get3A_69 = arith.constant 0 : index
    %get3A_70 = tpu.vector_load %arg9[%get3A_68, %get3A_69] {strides = array<i32>} : memref<16x16xi32, #tpu.memory_space<vmem>>, vector<16xi32>,
    %min3A_71 = arith.minsi %min3A_66, %get3A_70 : vector<16xi32>
    %get3A_72 = arith.constant 6 : i32
    %get3A_73 = arith.index_cast %get3A_72 : i32 to index
    %get3A_74 = arith.constant 0 : index
    %get3A_75 = tpu.vector_load %arg9[%get3A_73, %get3A_74] {strides = array<i32>} : memref<16x16xi32, #tpu.memory_space<vmem>>, vector<16xi32>,
    %min3A_76 = arith.minsi %min3A_71, %get3A_75 : vector<16xi32>
    %get3A_77 = arith.constant 7 : i32
    %get3A_78 = arith.index_cast %get3A_77 : i32 to index
    %get3A_79 = arith.constant 0 : index
    %get3A_80 = tpu.vector_load %arg9[%get3A_78, %get3A_79] {strides = array<i32>} : memref<16x16xi32, #tpu.memory_space<vmem>>, vector<16xi32>,
    %min3A_81 = arith.minsi %min3A_76, %get3A_80 : vector<16xi32>
    %get3A_82 = arith.constant 8 : i32
    %get3A_83 = arith.index_cast %get3A_82 : i32 to index
    %get3A_84 = arith.constant 0 : index
    %get3A_85 = tpu.vector_load %arg9[%get3A_83, %get3A_84] {strides = array<i32>} : memref<16x16xi32, #tpu.memory_space<vmem>>, vector<16xi32>,
    %min3A_86 = arith.minsi %min3A_81, %get3A_85 : vector<16xi32>
    %get3A_87 = arith.constant 9 : i32
    %get3A_88 = arith.index_cast %get3A_87 : i32 to index
    %get3A_89 = arith.constant 0 : index
    %get3A_90 = tpu.vector_load %arg9[%get3A_88, %get3A_89] {strides = array<i32>} : memref<16x16xi32, #tpu.memory_space<vmem>>, vector<16xi32>,
    %min3A_91 = arith.minsi %min3A_86, %get3A_90 : vector<16xi32>
    %get3A_92 = arith.constant 10 : i32
    %get3A_93 = arith.index_cast %get3A_92 : i32 to index
    %get3A_94 = arith.constant 0 : index
    %get3A_95 = tpu.vector_load %arg9[%get3A_93, %get3A_94] {strides = array<i32>} : memref<16x16xi32, #tpu.memory_space<vmem>>, vector<16xi32>,
    %min3A_96 = arith.minsi %min3A_91, %get3A_95 : vector<16xi32>
    %get3A_97 = arith.constant 11 : i32
    %get3A_98 = arith.index_cast %get3A_97 : i32 to index
    %get3A_99 = arith.constant 0 : index
    %get3A_100 = tpu.vector_load %arg9[%get3A_98, %get3A_99] {strides = array<i32>} : memref<16x16xi32, #tpu.memory_space<vmem>>, vector<16xi32>,
    %min3A_101 = arith.minsi %min3A_96, %get3A_100 : vector<16xi32>
    %get3A_102 = arith.constant 12 : i32
    %get3A_103 = arith.index_cast %get3A_102 : i32 to index
    %get3A_104 = arith.constant 0 : index
    %get3A_105 = tpu.vector_load %arg9[%get3A_103, %get3A_104] {strides = array<i32>} : memref<16x16xi32, #tpu.memory_space<vmem>>, vector<16xi32>,
    %min3A_106 = arith.minsi %min3A_101, %get3A_105 : vector<16xi32>
    %get3A_107 = arith.constant 13 : i32
    %get3A_108 = arith.index_cast %get3A_107 : i32 to index
    %get3A_109 = arith.constant 0 : index
    %get3A_110 = tpu.vector_load %arg9[%get3A_108, %get3A_109] {strides = array<i32>} : memref<16x16xi32, #tpu.memory_space<vmem>>, vector<16xi32>,
    %min3A_111 = arith.minsi %min3A_106, %get3A_110 : vector<16xi32>
    %get3A_112 = arith.constant 14 : i32
    %get3A_113 = arith.index_cast %get3A_112 : i32 to index
    %get3A_114 = arith.constant 0 : index
    %get3A_115 = tpu.vector_load %arg9[%get3A_113, %get3A_114] {strides = array<i32>} : memref<16x16xi32, #tpu.memory_space<vmem>>, vector<16xi32>,
    %min3A_116 = arith.minsi %min3A_111, %get3A_115 : vector<16xi32>
    %get3A_117 = arith.constant 15 : i32
    %get3A_118 = arith.index_cast %get3A_117 : i32 to index
    %get3A_119 = arith.constant 0 : index
    %get3A_120 = tpu.vector_load %arg9[%get3A_118, %get3A_119] {strides = array<i32>} : memref<16x16xi32, #tpu.memory_space<vmem>>, vector<16xi32>,
    %min3A_121 = arith.minsi %min3A_116, %get3A_120 : vector<16xi32>
    %slice3A = vector.extract_strided_slice %min3A_121 {offsets = [0], sizes = [1], strides = [1]} : vector<16xi32> to vector<1xi32>
    %squeeze3A = vector.extract %slice3A[0] : i32 from vector<1xi32>
    %slice3A_122 = vector.extract_strided_slice %min3A_121 {offsets = [1], sizes = [1], strides = [1]} : vector<16xi32> to vector<1xi32>
    %squeeze3A_123 = vector.extract %slice3A_122[0] : i32 from vector<1xi32>
    %min3A_124 = arith.minsi %squeeze3A, %squeeze3A_123 : i32
    %slice3A_125 = vector.extract_strided_slice %min3A_121 {offsets = [2], sizes = [1], strides = [1]} : vector<16xi32> to vector<1xi32>
    %squeeze3A_126 = vector.extract %slice3A_125[0] : i32 from vector<1xi32>
    %min3A_127 = arith.minsi %min3A_124, %squeeze3A_126 : i32
    %slice3A_128 = vector.extract_strided_slice %min3A_121 {offsets = [3], sizes = [1], strides = [1]} : vector<16xi32> to vector<1xi32>
    %squeeze3A_129 = vector.extract %slice3A_128[0] : i32 from vector<1xi32>
    %min3A_130 = arith.minsi %min3A_127, %squeeze3A_129 : i32
    %slice3A_131 = vector.extract_strided_slice %min3A_121 {offsets = [4], sizes = [1], strides = [1]} : vector<16xi32> to vector<1xi32>
    %squeeze3A_132 = vector.extract %slice3A_131[0] : i32 from vector<1xi32>
    %min3A_133 = arith.minsi %min3A_130, %squeeze3A_132 : i32
    %slice3A_134 = vector.extract_strided_slice %min3A_121 {offsets = [5], sizes = [1], strides = [1]} : vector<16xi32> to vector<1xi32>
    %squeeze3A_135 = vector.extract %slice3A_134[0] : i32 from vector<1xi32>
    %min3A_136 = arith.minsi %min3A_133, %squeeze3A_135 : i32
    %slice3A_137 = vector.extract_strided_slice %min3A_121 {offsets = [6], sizes = [1], strides = [1]} : vector<16xi32> to vector<1xi32>
    %squeeze3A_138 = vector.extract %slice3A_137[0] : i32 from vector<1xi32>
    %min3A_139 = arith.minsi %min3A_136, %squeeze3A_138 : i32
    %slice3A_140 = vector.extract_strided_slice %min3A_121 {offsets = [7], sizes = [1], strides = [1]} : vector<16xi32> to vector<1xi32>
    %squeeze3A_141 = vector.extract %slice3A_140[0] : i32 from vector<1xi32>
    %min3A_142 = arith.minsi %min3A_139, %squeeze3A_141 : i32
    %slice3A_143 = vector.extract_strided_slice %min3A_121 {offsets = [8], sizes = [1], strides = [1]} : vector<16xi32> to vector<1xi32>
    %squeeze3A_144 = vector.extract %slice3A_143[0] : i32 from vector<1xi32>
    %min3A_145 = arith.minsi %min3A_142, %squeeze3A_144 : i32
    %slice3A_146 = vector.extract_strided_slice %min3A_121 {offsets = [9], sizes = [1], strides = [1]} : vector<16xi32> to vector<1xi32>
    %squeeze3A_147 = vector.extract %slice3A_146[0] : i32 from vector<1xi32>
    %min3A_148 = arith.minsi %min3A_145, %squeeze3A_147 : i32
    %slice3A_149 = vector.extract_strided_slice %min3A_121 {offsets = [10], sizes = [1], strides = [1]} : vector<16xi32> to vector<1xi32>
    %squeeze3A_150 = vector.extract %slice3A_149[0] : i32 from vector<1xi32>
    %min3A_151 = arith.minsi %min3A_148, %squeeze3A_150 : i32
    %slice3A_152 = vector.extract_strided_slice %min3A_121 {offsets = [11], sizes = [1], strides = [1]} : vector<16xi32> to vector<1xi32>
    %squeeze3A_153 = vector.extract %slice3A_152[0] : i32 from vector<1xi32>
    %min3A_154 = arith.minsi %min3A_151, %squeeze3A_153 : i32
    %slice3A_155 = vector.extract_strided_slice %min3A_121 {offsets = [12], sizes = [1], strides = [1]} : vector<16xi32> to vector<1xi32>
    %squeeze3A_156 = vector.extract %slice3A_155[0] : i32 from vector<1xi32>
    %min3A_157 = arith.minsi %min3A_154, %squeeze3A_156 : i32
    %slice3A_158 = vector.extract_strided_slice %min3A_121 {offsets = [13], sizes = [1], strides = [1]} : vector<16xi32> to vector<1xi32>
    %squeeze3A_159 = vector.extract %slice3A_158[0] : i32 from vector<1xi32>
    %min3A_160 = arith.minsi %min3A_157, %squeeze3A_159 : i32
    %slice3A_161 = vector.extract_strided_slice %min3A_121 {offsets = [14], sizes = [1], strides = [1]} : vector<16xi32> to vector<1xi32>
    %squeeze3A_162 = vector.extract %slice3A_161[0] : i32 from vector<1xi32>
    %min3A_163 = arith.minsi %min3A_160, %squeeze3A_162 : i32
    %slice3A_164 = vector.extract_strided_slice %min3A_121 {offsets = [15], sizes = [1], strides = [1]} : vector<16xi32> to vector<1xi32>
    %squeeze3A_165 = vector.extract %slice3A_164[0] : i32 from vector<1xi32>
    %min3A_166 = arith.minsi %min3A_163, %squeeze3A_165 : i32
    %eq3A = arith.constant 65536 : i32
    %eq3A_167 = arith.cmpi eq, %min3A_166, %eq3A : i32
    %jit3A = arith.constant 0 : i32
    %select_n3A = arith.select %eq3A_167, %jit3A, %min3A_166 : i32
    %add3A_168 = arith.constant 65536 : i32
    %add3A_169 = arith.addi %select_n3A, %add3A_168 : i32
    %mul3A_170 = arith.constant 4096 : i32
    %mul3A_171 = arith.muli %add3A, %mul3A_170 : i32
    %sub3A = arith.subi %mul3A_171, %select_n3A : i32
    %add3A_172 = arith.constant 4096 : i32
    %add3A_173 = arith.addi %mul3A_171, %add3A_172 : i32
    %le3A = arith.cmpi sle, %add3A_173, %select_n3A : i32
    %ge3A = arith.constant 0 : i32
    %ge3A_174 = arith.cmpi sge, %sub3A, %ge3A : i32
    %add3A_175 = arith.constant 4096 : i32
    %add3A_176 = arith.addi %sub3A, %add3A_175 : i32
    %le3A_177 = arith.constant 65536 : i32
    %le3A_178 = arith.cmpi sle, %add3A_176, %le3A_177 : i32
    %and3A = arith.andi %ge3A_174, %le3A_178 : i1
    %and3A_179 = arith.constant 15 : i32
    %and3A_180 = arith.andi %sub3A, %and3A_179 : i32
    %eq3A_181 = arith.constant 0 : i32
    %eq3A_182 = arith.cmpi eq, %and3A_180, %eq3A_181 : i32
    %and3A_183 = arith.andi %and3A, %eq3A_182 : i1
    %not3A = arith.constant true
    %not3A_184 = arith.xori %le3A, %not3A : i1
    %and3A_185 = arith.andi %and3A_183, %not3A_184 : i1
    %ge3A_186 = arith.constant 65536 : i32
    %ge3A_187 = arith.cmpi sge, %sub3A, %ge3A_186 : i32
    %or3A = arith.ori %le3A, %and3A_185 : i1
    %or3A_188 = arith.ori %or3A, %ge3A_187 : i1
    %not3A_189 = arith.constant true
    %not3A_190 = arith.xori %or3A_188, %not3A_189 : i1
    %multiple_of3A_191 = tpu.assume_multiple %mul3A_171, 4096 : i32
    %convert_element_type3A = arith.extui %le3A : i1 to i32
    %cond3A = arith.constant 0 : i32
    %cond3A_192 = arith.cmpi ne, %convert_element_type3A, %cond3A : i32
    scf.if %cond3A_192 {
      "tpu.region"() ({
        %run_scoped3A = tpu.sem_alloc : memref<!tpu.dma_semaphore, #tpu.memory_space<semaphore_mem>>
        %dma_start3A_202 = tpu.memref_slice %arg4[%multiple_of3A_191] : memref<131072xf32, #tpu.memory_space<hbm>> -> memref<4096xf32, #tpu.memory_space<hbm>>
        %dma_start3A_203 = tpu.memref_slice %arg4[%multiple_of3A_191] : memref<131072xf32, #tpu.memory_space<hbm>> -> memref<4096xf32, #tpu.memory_space<hbm>>
        tpu.enqueue_dma source(%arg5 : memref<4096xf32, #tpu.memory_space<vmem>>) target(%dma_start3A_203 : memref<4096xf32, #tpu.memory_space<hbm>>) target_semaphore(%run_scoped3A : memref<!tpu.dma_semaphore, #tpu.memory_space<semaphore_mem>>)
        %dma_wait3A_204 = tpu.memref_slice %arg4[%multiple_of3A_191] : memref<131072xf32, #tpu.memory_space<hbm>> -> memref<4096xf32, #tpu.memory_space<hbm>>
        %dma_wait3A_205 = tpu.memref_slice %arg4[%multiple_of3A_191] : memref<131072xf32, #tpu.memory_space<hbm>> -> memref<4096xf32, #tpu.memory_space<hbm>>
        tpu.wait_dma2 semaphore(%run_scoped3A : memref<!tpu.dma_semaphore, #tpu.memory_space<semaphore_mem>>) src(%arg5 : memref<4096xf32, #tpu.memory_space<vmem>>) dst(%dma_wait3A_205 : memref<4096xf32, #tpu.memory_space<hbm>>)
        tpu.yield
      }) : () -> ()
    } else {
    }
    %convert_element_type3A_193 = arith.extui %and3A_185 : i1 to i32
    %cond3A_194 = arith.constant 0 : i32
    %cond3A_195 = arith.cmpi ne, %convert_element_type3A_193, %cond3A_194 : i32
    scf.if %cond3A_195 {
      %jit3A_202 = arith.constant 0 : i32
      %jit3A_203 = arith.constant 61440 : i32
      %max3A = arith.maxsi %jit3A_202, %sub3A : i32
      %min3A_204 = arith.minsi %jit3A_203, %max3A : i32
      %multiple_of3A_205 = tpu.assume_multiple %min3A_204, 16 : i32
      "tpu.region"() ({
        %run_scoped3A = tpu.sem_alloc : memref<!tpu.dma_semaphore, #tpu.memory_space<semaphore_mem>>
        %dma_start3A_206 = arith.constant 0 : i32
        %dma_start3A_207 = tpu.memref_slice %arg6[%dma_start3A_206] : memref<4112xf32, #tpu.memory_space<vmem>> -> memref<4096xf32, #tpu.memory_space<vmem>>
        %dma_start3A_208 = tpu.memref_slice %arg3[%multiple_of3A_205] : memref<65536xf32, #tpu.memory_space<hbm>> -> memref<4096xf32, #tpu.memory_space<hbm>>
        %dma_start3A_209 = arith.constant 0 : i32
        %dma_start3A_210 = tpu.memref_slice %arg6[%dma_start3A_209] : memref<4112xf32, #tpu.memory_space<vmem>> -> memref<4096xf32, #tpu.memory_space<vmem>>
        %dma_start3A_211 = tpu.memref_slice %arg3[%multiple_of3A_205] : memref<65536xf32, #tpu.memory_space<hbm>> -> memref<4096xf32, #tpu.memory_space<hbm>>
        tpu.enqueue_dma source(%dma_start3A_211 : memref<4096xf32, #tpu.memory_space<hbm>>) target(%dma_start3A_210 : memref<4096xf32, #tpu.memory_space<vmem>>) target_semaphore(%run_scoped3A : memref<!tpu.dma_semaphore, #tpu.memory_space<semaphore_mem>>)
        %dma_wait3A_212 = arith.constant 0 : i32
        %dma_wait3A_213 = tpu.memref_slice %arg6[%dma_wait3A_212] : memref<4112xf32, #tpu.memory_space<vmem>> -> memref<4096xf32, #tpu.memory_space<vmem>>
        %dma_wait3A_214 = tpu.memref_slice %arg3[%multiple_of3A_205] : memref<65536xf32, #tpu.memory_space<hbm>> -> memref<4096xf32, #tpu.memory_space<hbm>>
        %dma_wait3A_215 = arith.constant 0 : i32
        %dma_wait3A_216 = tpu.memref_slice %arg6[%dma_wait3A_215] : memref<4112xf32, #tpu.memory_space<vmem>> -> memref<4096xf32, #tpu.memory_space<vmem>>
        %dma_wait3A_217 = tpu.memref_slice %arg3[%multiple_of3A_205] : memref<65536xf32, #tpu.memory_space<hbm>> -> memref<4096xf32, #tpu.memory_space<hbm>>
        tpu.wait_dma2 semaphore(%run_scoped3A : memref<!tpu.dma_semaphore, #tpu.memory_space<semaphore_mem>>) src(%dma_wait3A_217 : memref<4096xf32, #tpu.memory_space<hbm>>) dst(%dma_wait3A_216 : memref<4096xf32, #tpu.memory_space<vmem>>)
        tpu.yield
      }) : () -> ()
      "tpu.region"() ({
        %run_scoped3A = tpu.sem_alloc : memref<!tpu.dma_semaphore, #tpu.memory_space<semaphore_mem>>
        %dma_start3A_206 = arith.constant 0 : i32
        %dma_start3A_207 = tpu.memref_slice %arg6[%dma_start3A_206] : memref<4112xf32, #tpu.memory_space<vmem>> -> memref<4096xf32, #tpu.memory_space<vmem>>
        %dma_start3A_208 = tpu.memref_slice %arg4[%multiple_of3A_191] : memref<131072xf32, #tpu.memory_space<hbm>> -> memref<4096xf32, #tpu.memory_space<hbm>>
        %dma_start3A_209 = tpu.memref_slice %arg4[%multiple_of3A_191] : memref<131072xf32, #tpu.memory_space<hbm>> -> memref<4096xf32, #tpu.memory_space<hbm>>
        %dma_start3A_210 = arith.constant 0 : i32
        %dma_start3A_211 = tpu.memref_slice %arg6[%dma_start3A_210] : memref<4112xf32, #tpu.memory_space<vmem>> -> memref<4096xf32, #tpu.memory_space<vmem>>
        tpu.enqueue_dma source(%dma_start3A_211 : memref<4096xf32, #tpu.memory_space<vmem>>) target(%dma_start3A_209 : memref<4096xf32, #tpu.memory_space<hbm>>) target_semaphore(%run_scoped3A : memref<!tpu.dma_semaphore, #tpu.memory_space<semaphore_mem>>)
        %dma_wait3A_212 = arith.constant 0 : i32
        %dma_wait3A_213 = tpu.memref_slice %arg6[%dma_wait3A_212] : memref<4112xf32, #tpu.memory_space<vmem>> -> memref<4096xf32, #tpu.memory_space<vmem>>
        %dma_wait3A_214 = tpu.memref_slice %arg4[%multiple_of3A_191] : memref<131072xf32, #tpu.memory_space<hbm>> -> memref<4096xf32, #tpu.memory_space<hbm>>
        %dma_wait3A_215 = tpu.memref_slice %arg4[%multiple_of3A_191] : memref<131072xf32, #tpu.memory_space<hbm>> -> memref<4096xf32, #tpu.memory_space<hbm>>
        %dma_wait3A_216 = arith.constant 0 : i32
        %dma_wait3A_217 = tpu.memref_slice %arg6[%dma_wait3A_216] : memref<4112xf32, #tpu.memory_space<vmem>> -> memref<4096xf32, #tpu.memory_space<vmem>>
        tpu.wait_dma2 semaphore(%run_scoped3A : memref<!tpu.dma_semaphore, #tpu.memory_space<semaphore_mem>>) src(%dma_wait3A_217 : memref<4096xf32, #tpu.memory_space<vmem>>) dst(%dma_wait3A_215 : memref<4096xf32, #tpu.memory_space<hbm>>)
        tpu.yield
      }) : () -> ()
    } else {
    }
    %convert_element_type3A_196 = arith.extui %ge3A_187 : i1 to i32
    %cond3A_197 = arith.constant 0 : i32
    %cond3A_198 = arith.cmpi ne, %convert_element_type3A_196, %cond3A_197 : i32
    scf.if %cond3A_198 {
      %parallel_loop3A_202 = arith.constant 0 : i32
      %parallel_loop3A_203 = arith.constant 4096 : i32
      %parallel_loop3A_204 = arith.constant 16 : i32
      scf.for %parallel_loop3A_205 = %parallel_loop3A_202 to %parallel_loop3A_203 step %parallel_loop3A_204  : i32 {
        %parallel_loop3A_206 = arith.index_cast %parallel_loop3A_205 : i32 to index
        %parallel_loop3A_207 = tpu.vector_load %arg7[%parallel_loop3A_206] {strides = array<i32>} : memref<4096xf32, #tpu.memory_space<vmem>>, vector<16xf32>,
        tpu.vector_store %arg7[%parallel_loop3A_206], %broadcast_in_dim3A_17 {strides = array<i32>} : memref<4096xf32, #tpu.memory_space<vmem>>, vector<16xf32>,
      } {sc.loop_unroll_factor = 8 : i64, sc.parallel_access}
      "tpu.region"() ({
        %run_scoped3A = tpu.sem_alloc : memref<!tpu.dma_semaphore, #tpu.memory_space<semaphore_mem>>
        %dma_start3A_205 = tpu.memref_slice %arg4[%multiple_of3A_191] : memref<131072xf32, #tpu.memory_space<hbm>> -> memref<4096xf32, #tpu.memory_space<hbm>>
        %dma_start3A_206 = tpu.memref_slice %arg4[%multiple_of3A_191] : memref<131072xf32, #tpu.memory_space<hbm>> -> memref<4096xf32, #tpu.memory_space<hbm>>
        tpu.enqueue_dma source(%arg7 : memref<4096xf32, #tpu.memory_space<vmem>>) target(%dma_start3A_206 : memref<4096xf32, #tpu.memory_space<hbm>>) target_semaphore(%run_scoped3A : memref<!tpu.dma_semaphore, #tpu.memory_space<semaphore_mem>>)
        %dma_wait3A_207 = tpu.memref_slice %arg4[%multiple_of3A_191] : memref<131072xf32, #tpu.memory_space<hbm>> -> memref<4096xf32, #tpu.memory_space<hbm>>
        %dma_wait3A_208 = tpu.memref_slice %arg4[%multiple_of3A_191] : memref<131072xf32, #tpu.memory_space<hbm>> -> memref<4096xf32, #tpu.memory_space<hbm>>
        tpu.wait_dma2 semaphore(%run_scoped3A : memref<!tpu.dma_semaphore, #tpu.memory_space<semaphore_mem>>) src(%arg7 : memref<4096xf32, #tpu.memory_space<vmem>>) dst(%dma_wait3A_208 : memref<4096xf32, #tpu.memory_space<hbm>>)
        tpu.yield
      }) : () -> ()
    } else {
    }
    %convert_element_type3A_199 = arith.extui %not3A_190 : i1 to i32
    %cond3A_200 = arith.constant 0 : i32
    %cond3A_201 = arith.cmpi ne, %convert_element_type3A_199, %cond3A_200 : i32
    scf.if %cond3A_201 {
      %and3A_202 = arith.constant -16 : i32
      %and3A_203 = arith.andi %sub3A, %and3A_202 : i32
      %jit3A_204 = arith.constant 0 : i32
      %jit3A_205 = arith.constant 61424 : i32
      %max3A = arith.maxsi %jit3A_204, %and3A_203 : i32
      %min3A_206 = arith.minsi %jit3A_205, %max3A : i32
      %multiple_of3A_207 = tpu.assume_multiple %min3A_206, 16 : i32
      %sub3A_208 = arith.subi %sub3A, %multiple_of3A_207 : i32
      "tpu.region"() ({
        %run_scoped3A = tpu.sem_alloc : memref<!tpu.dma_semaphore, #tpu.memory_space<semaphore_mem>>
        %dma_start3A_212 = tpu.memref_slice %arg3[%multiple_of3A_207] : memref<65536xf32, #tpu.memory_space<hbm>> -> memref<4112xf32, #tpu.memory_space<hbm>>
        %dma_start3A_213 = tpu.memref_slice %arg3[%multiple_of3A_207] : memref<65536xf32, #tpu.memory_space<hbm>> -> memref<4112xf32, #tpu.memory_space<hbm>>
        tpu.enqueue_dma source(%dma_start3A_213 : memref<4112xf32, #tpu.memory_space<hbm>>) target(%arg6 : memref<4112xf32, #tpu.memory_space<vmem>>) target_semaphore(%run_scoped3A : memref<!tpu.dma_semaphore, #tpu.memory_space<semaphore_mem>>)
        %dma_wait3A_214 = tpu.memref_slice %arg3[%multiple_of3A_207] : memref<65536xf32, #tpu.memory_space<hbm>> -> memref<4112xf32, #tpu.memory_space<hbm>>
        %dma_wait3A_215 = tpu.memref_slice %arg3[%multiple_of3A_207] : memref<65536xf32, #tpu.memory_space<hbm>> -> memref<4112xf32, #tpu.memory_space<hbm>>
        tpu.wait_dma2 semaphore(%run_scoped3A : memref<!tpu.dma_semaphore, #tpu.memory_space<semaphore_mem>>) src(%dma_wait3A_215 : memref<4112xf32, #tpu.memory_space<hbm>>) dst(%arg6 : memref<4112xf32, #tpu.memory_space<vmem>>)
        tpu.yield
      }) : () -> ()
      %parallel_loop3A_209 = arith.constant 0 : i32
      %parallel_loop3A_210 = arith.constant 4096 : i32
      %parallel_loop3A_211 = arith.constant 16 : i32
      scf.for %parallel_loop3A_212 = %parallel_loop3A_209 to %parallel_loop3A_210 step %parallel_loop3A_211  : i32 {
        %parallel_loop3A_213 = vector.broadcast %parallel_loop3A_212 : i32 to vector<16xi32>
        %parallel_loop3A_214 = arith.addi %parallel_loop3A_213, %iota3A : vector<16xi32>
        %parallel_loop3A_215 = vector.broadcast %mul3A_171 : i32 to vector<16xi32>
        %parallel_loop3A_216 = arith.addi %parallel_loop3A_215, %parallel_loop3A_214 : vector<16xi32>
        %parallel_loop3A_217 = arith.index_cast %parallel_loop3A_212 : i32 to index
        %parallel_loop3A_218 = tpu.vector_load %arg5[%parallel_loop3A_217] {strides = array<i32>} : memref<4096xf32, #tpu.memory_space<vmem>>, vector<16xf32>,
        %parallel_loop3A_219 = vector.broadcast %sub3A_208 : i32 to vector<16xi32>
        %parallel_loop3A_220 = arith.addi %parallel_loop3A_214, %parallel_loop3A_219 : vector<16xi32>
        %parallel_loop3A_221 = arith.constant 0 : i32
        %parallel_loop3A_222 = arith.constant 4111 : i32
        %parallel_loop3A_223 = vector.broadcast %parallel_loop3A_221 : i32 to vector<16xi32>
        %parallel_loop3A_224 = arith.maxsi %parallel_loop3A_223, %parallel_loop3A_220 : vector<16xi32>
        %parallel_loop3A_225 = vector.broadcast %parallel_loop3A_222 : i32 to vector<16xi32>
        %parallel_loop3A_226 = arith.minsi %parallel_loop3A_225, %parallel_loop3A_224 : vector<16xi32>
        %parallel_loop3A_227 = tpu.vector_load_idx %arg6[%parallel_loop3A_226] : memref<4112xf32, #tpu.memory_space<vmem>>[vector<16xi32>], vector<16xf32>,
        %parallel_loop3A_228 = vector.broadcast %select_n3A : i32 to vector<16xi32>
        %parallel_loop3A_229 = arith.cmpi slt, %parallel_loop3A_216, %parallel_loop3A_228 : vector<16xi32>
        %parallel_loop3A_230 = vector.broadcast %add3A_169 : i32 to vector<16xi32>
        %parallel_loop3A_231 = arith.cmpi slt, %parallel_loop3A_216, %parallel_loop3A_230 : vector<16xi32>
        %parallel_loop3A_232 = arith.select %parallel_loop3A_231, %parallel_loop3A_227, %broadcast_in_dim3A_17 : vector<16xi1>, vector<16xf32>
        %parallel_loop3A_233 = arith.select %parallel_loop3A_229, %parallel_loop3A_218, %parallel_loop3A_232 : vector<16xi1>, vector<16xf32>
        %parallel_loop3A_234 = arith.index_cast %parallel_loop3A_212 : i32 to index
        %parallel_loop3A_235 = tpu.vector_load %arg7[%parallel_loop3A_234] {strides = array<i32>} : memref<4096xf32, #tpu.memory_space<vmem>>, vector<16xf32>,
        tpu.vector_store %arg7[%parallel_loop3A_234], %parallel_loop3A_233 {strides = array<i32>} : memref<4096xf32, #tpu.memory_space<vmem>>, vector<16xf32>,
      } {sc.loop_unroll_factor = 8 : i64, sc.parallel_access}
      "tpu.region"() ({
        %run_scoped3A = tpu.sem_alloc : memref<!tpu.dma_semaphore, #tpu.memory_space<semaphore_mem>>
        %dma_start3A_212 = tpu.memref_slice %arg4[%multiple_of3A_191] : memref<131072xf32, #tpu.memory_space<hbm>> -> memref<4096xf32, #tpu.memory_space<hbm>>
        %dma_start3A_213 = tpu.memref_slice %arg4[%multiple_of3A_191] : memref<131072xf32, #tpu.memory_space<hbm>> -> memref<4096xf32, #tpu.memory_space<hbm>>
        tpu.enqueue_dma source(%arg7 : memref<4096xf32, #tpu.memory_space<vmem>>) target(%dma_start3A_213 : memref<4096xf32, #tpu.memory_space<hbm>>) target_semaphore(%run_scoped3A : memref<!tpu.dma_semaphore, #tpu.memory_space<semaphore_mem>>)
        %dma_wait3A_214 = tpu.memref_slice %arg4[%multiple_of3A_191] : memref<131072xf32, #tpu.memory_space<hbm>> -> memref<4096xf32, #tpu.memory_space<hbm>>
        %dma_wait3A_215 = tpu.memref_slice %arg4[%multiple_of3A_191] : memref<131072xf32, #tpu.memory_space<hbm>> -> memref<4096xf32, #tpu.memory_space<hbm>>
        tpu.wait_dma2 semaphore(%run_scoped3A : memref<!tpu.dma_semaphore, #tpu.memory_space<semaphore_mem>>) src(%arg7 : memref<4096xf32, #tpu.memory_space<vmem>>) dst(%dma_wait3A_215 : memref<4096xf32, #tpu.memory_space<hbm>>)
        tpu.yield
      }) : () -> ()
    } else {
    }
    return
  }
}

</mosaic_0001>

<sc_bundles>
// kernel: kernel.3.cloned.1.call-start
scs
__scs_entry_jumppad:
0x0: {  	(pc) =	sbr.rel $0x88, $3  }
0x1: {  	(tag) =	ssettag $0x0;
	lr =	simm.s32 $0x1  }
0x2: {  	[smem:$0x3F9F] =	sst lr;
	_ =	strace $0xD0000000  }
0x3: {  	_ = 	snop  }
0x4: {  	_ = 	snop  }
0x5: {  	_ = 	snop  }
0x6: {  	_ = 	snop  }
0x7: {  	_ = 	snop  }
__scs_overlays_trampoline_lowered:
0x8: {  	[smem:$0x3FAE] =	sst s0  }
0x9: {  	[smem:$0x3FAF] =	sst s1  }
0xa: {  	[smem:$0x3FB0] =	sst s2  }
0xb: {  	[smem:$0x3FB1] =	sst s3  }
0xc: {  	[smem:$0x3FB2] =	sst s4  }
0xd: {  	[smem:$0x3FB3] =	sst s5  }
0xe: {  	[smem:$0x3FB4] =	sst s6  }
0xf: {  	[smem:$0x3FB5] =	sst s7  }
0x10: {  	[smem:$0x3FB6] =	sst s8  }
0x11: {  	[smem:$0x3FB7] =	sst s9;
	s0 =	simm.s32 @!p0 $0x0  }
0x12: {  	s1 =	sld [smem:$0x3F9D];
	s0 =	simm.s32 @p0 $0x1  }
0x13: {  	[smem:$0x3FB8] =	sst s0;
	s0 =	simm.s32 @!p1 $0x0  }
0x14: {  	s2 =	sld [smem:$0x3F9C];
	s0 =	simm.s32 @p1 $0x1  }
0x15: {  	[smem:$0x3FB9] =	sst s0;
	s0 =	simm.s32 @!p2 $0x0  }
0x16: {  	s3 =	sld [smem:$0x3FDB];
	s0 =	simm.s32 @p2 $0x1  }
0x17: {  	s4 =	simm.s32 $0x1BF5;
	[smem:$0x3FBB] =	sst s0  }
0x18: {  	s0 =	sld [smem:$0x3F9E];
	_ =	swait.ge [sflag:s4], $0x0  }
0x19: {  	s7 =	sld [smem:$0x3F9F]  }
0x1a: {  	s8 =	sadd.s32 $0xFFFFE003, lr  }
0x1b: {  	s9 =	sadd.s32 $0xFFFFFEF7, lr;
	s5 =	simm.s32 $0xFFFFFFFF;
	p2 =	slt.u32 s8, $0xFFFFF086  }
0x1c: {  	p1 =	slt.u32 s9, $0xF7A;
	s5 =	simm.s32 @!p2 $0x0  }
0x1d: {  	s5 =	simm.s32 @p1 $0x1;
	p0 =	seq.s32 s7, s2  }
0x1e: {  	s7 =	smul.u32 @!p0 $0xF7A, s2;
	p2 =	seq.s32 @!p0 s5, $0x0  }
0x1f: {  	s9 =	smul.u32 $0xF7A, s1;
	s8 =	simm.s32 @!p0 $0x1BF5;
	p2 =	por !p2, p0  }
0x20: {  	[sflag:s8] =	ssyncset.s32 @!p0 $0xFFFFF086;
	s6 =	sadd.s32 @!p0 s3, s7;
	s7 =	simm.s32 @!p0 $0x108  }
0x21: {  	s3 =	sadd.s32 s3, s9;
	s6 =	sadd.s32 @!p0 $0x88, s6;
	s7 =	simm.s32 @p2 $0x1082  }
0x22: {  	[simem:s7], [sflag:s8] =	dma.local @!p0 [hbm:s6], $0xF7A  }
0x23: {  	s9 =	sor.u32 $0xD0000000, s2;
	s6 =	simm.s32 $0x108;
	_ =	swait.ge @!p0 [sflag:s8], $0x0  }
0x24: {  	s3 =	sadd.s32 $0x88, s3;
	s6 =	simm.s32 @!p1 $0x1082;
	[sflag:s4] =	ssyncset.s32 $0xFFFFF086  }
0x25: {  	[simem:s6], [sflag:s4] =	dma.local [hbm:s3], $0xF7A  }
0x26: {  	[smem:$0x3F9F] =	sst s1;
	(tag) =	ssettag s2;
	_ =	strace s9  }
0x27: {  	s1 =	sld [smem:$0x3FAF]  }
0x28: {  	s2 =	sld [smem:$0x3FB0]  }
0x29: {  	s4 =	sld [smem:$0x3FB2]  }
0x2a: {  	p0 =	seq.s32 s5, $0x0;
	s5 =	sld [smem:$0x3FB3]  }
0x2b: {  	s6 =	sld [smem:$0x3FB4]  }
0x2c: {  	s7 =	sld [smem:$0x3FB5]  }
0x2d: {  	s3 =	simm.s32 $0x108;
	s8 =	sld [smem:$0x3FB6]  }
0x2e: {  	s3 =	simm.s32 @!p0 $0x1082;
	s9 =	sld [smem:$0x3FB7]  }
0x2f: {  	lr =	sadd.s32 s0, s3;
	s0 =	sld [smem:$0x3FAE]  }
0x30: {  	s3 =	sld [smem:$0x3FB1]  }
0x31: {  	[smem:$0x3FBA] =	sst s10  }
0x32: {  	s10 =	sld [smem:$0x3FB8];
	_ =	sdelay $0x3  }
0x33: {  	p0 =	seq.s32 s10, $0x1;
	s10 =	sld [smem:$0x3FBA];
	_ =	sdelay $0x3  }
0x34: {  	[smem:$0x3FBA] =	sst s10  }
0x35: {  	s10 =	sld [smem:$0x3FB9];
	_ =	sdelay $0x3  }
0x36: {  	p1 =	seq.s32 s10, $0x1;
	s10 =	sld [smem:$0x3FBA];
	_ =	sdelay $0x3  }
0x37: {  	[smem:$0x3FBA] =	sst s10  }
0x38: {  	s10 =	sld [smem:$0x3FBB]  }
0x39: {  	_ = 	snop;
	(pc) =	sbr.ind lr, $3  }
0x3a: {  	_ = 	snop  }
0x3b: {  	_ = 	snop  }
0x3c: {  	p2 =	seq.s32 s10, $0x1;
	s10 =	sld [smem:$0x3FBA]  }
0x3d: {  	_ =	shalt  }
0x3e: {  	_ =	shalt  }
0x3f: {  	_ =	shalt  }
0x40: {  	_ =	shalt  }
0x41: {  	_ =	shalt  }
0x42: {  	_ =	shalt  }
0x43: {  	_ =	shalt  }
0x44: {  	_ =	shalt  }
0x45: {  	_ =	shalt  }
0x46: {  	_ =	shalt  }
0x47: {  	_ =	shalt  }
0x48: {  	_ =	shalt  }
0x49: {  	_ =	shalt  }
0x4a: {  	_ =	shalt  }
0x4b: {  	_ =	shalt  }
0x4c: {  	_ =	shalt  }
0x4d: {  	_ =	shalt  }
0x4e: {  	_ =	shalt  }
0x4f: {  	_ =	shalt  }
0x50: {  	_ =	shalt  }
0x51: {  	_ =	shalt  }
0x52: {  	_ =	shalt  }
0x53: {  	_ =	shalt  }
0x54: {  	_ =	shalt  }
0x55: {  	_ =	shalt  }
0x56: {  	_ =	shalt  }
0x57: {  	_ =	shalt  }
0x58: {  	_ =	shalt  }
0x59: {  	_ =	shalt  }
0x5a: {  	_ =	shalt  }
0x5b: {  	_ =	shalt  }
0x5c: {  	_ =	shalt  }
0x5d: {  	_ =	shalt  }
0x5e: {  	_ =	shalt  }
0x5f: {  	_ =	shalt  }
0x60: {  	_ =	shalt  }
0x61: {  	_ =	shalt  }
0x62: {  	_ =	shalt  }
0x63: {  	_ =	shalt  }
0x64: {  	_ =	shalt  }
0x65: {  	_ =	shalt  }
0x66: {  	_ =	shalt  }
0x67: {  	_ =	shalt  }
0x68: {  	_ =	shalt  }
0x69: {  	_ =	shalt  }
0x6a: {  	_ =	shalt  }
0x6b: {  	_ =	shalt  }
0x6c: {  	_ =	shalt  }
0x6d: {  	_ =	shalt  }
0x6e: {  	_ =	shalt  }
0x6f: {  	_ =	shalt  }
0x70: {  	_ =	shalt  }
0x71: {  	_ =	shalt  }
0x72: {  	_ =	shalt  }
0x73: {  	_ =	shalt  }
0x74: {  	_ =	shalt  }
0x75: {  	_ =	shalt  }
0x76: {  	_ =	shalt  }
0x77: {  	_ =	shalt  }
0x78: {  	_ =	shalt  }
0x79: {  	_ =	shalt  }
0x7a: {  	_ =	shalt  }
0x7b: {  	_ =	shalt  }
0x7c: {  	_ =	shalt  }
0x7d: {  	_ =	shalt  }
0x7e: {  	_ =	shalt  }
0x7f: {  	_ =	shalt  }
0x80: {  	_ =	shalt  }
0x81: {  	_ =	shalt  }
0x82: {  	_ =	shalt  }
0x83: {  	_ =	shalt  }
0x84: {  	_ =	shalt  }
0x85: {  	_ =	shalt  }
0x86: {  	_ =	shalt  }
0x87: {  	_ =	shalt  }
.Lfunc_end0:
.L_simem_size_0:
called_computation_lowered:
.L_overlay_start_0:
0x88: {  	s2 =	sld [smem:$0x3FD9]  }
0x89: {  	s3 =	sld [smem:$0x3FFE];
	_ =	sdelay $0x1  }
0x8a: {  	s1 =	srdreg.scid  }
0x8b: {  	s0 =	sand.u32 $0x1, s1  }
0x8c: {  	s18 =	sshll.u32 s0, $0xA;
	s2 =	sadd.s32 s3, s2  }
0x8d: {  	s2 =	sadd.s32 s2, s18  }
0x8e: {  	[smem:$0x3FC6] =	sst s2  }
0x8f: {  	_ = 	snop  }
0x90: {  	s2 =	sld [smem:$0x3FC9]  }
0x91: {  	s19 =	sld [smem:$0x3FC8]  }
0x92: {  	s4 =	sld [smem:$0x3FD0];
	(tm) =	ssettm $0x1  }
0x93: {  	s5 =	sld [smem:$0x3FFB];
	_ =	sdelay $0x3  }
0x94: {  	_ =	strace s5  }
0x95: {  	s5 =	sld [smem:$0x3FFC];
	_ =	sdelay $0x3  }
0x96: {  	_ =	strace s5  }
0x97: {  	s5 =	sld [smem:$0x3FFD];
	_ =	sdelay $0x3  }
0x98: {  	_ =	strace s5  }
0x99: {  	_ =	strace $0x8FFFFFFF  }
0x9a: {  	s20 =	sld [smem:$0x3FDB];
	_ =	sdelay $0x1  }
0x9b: {  	s6 =	simm.s32 $_scs_section_size  }
0x9c: {  	s7 =	simm.s32 $_size__tile_overlayer_lowered;
	s8 =	simm.s32 $_tile_overlayer_lowered  }
0x9d: {  	s23 =	simm.s32 $0x1BFF;
	s22 =	sshll.u32 s8, $0x1;
	s5 =	sadd.s32 s6, s20  }
0x9e: {  	s9 =	simm.s32 $0x0;
	s21 =	sshll.u32 s7, $0x1;
	s7 =	sadd.s32 s22, s5  }
0x9f: {  	[timem:s9], [sflag:s23] =	dma.local [hbm:s7], s21  }
0xa0: {  	_ =	swait.ge [sflag:s23], s21  }
0xa1: {  	s6 =	ssub.s32 $0x0, s21;
	[sflag:s23] =	ssyncset.done $0x0  }
0xa2: {  	[sflag:s23] =	ssyncadd.s32 s6;
	_ =	sdelay $0x1  }
0xa3: {  	s24 =	simm.s32 $0x1B8B  }
0xa4: {  	_ =	swait.ge [sflag:s24], $0x1  }
0xa5: {  	[sflag:s24] =	ssyncset.done $0x0  }
0xa6: {  	s25 =	simm.s32 $0x1B8E;
	[sflag:s24] =	ssyncadd.s32 $0xFFFFFFFF  }
0xa7: {  	s26 =	simm.s32 $execute0_lowered;
	[smem:$0x3FD2] =	sst s25  }
0xa8: {  	s6 =	sshll.u32 s26, $0x1;
	_ =	strace $0x80000046;
	[dreg:$0x1] =	wrdreg $0xFFFFFFFF  }
0xa9: {  	s28 =	simm.s32 $_size_execute0_lowered;
	s5 =	sadd.s32 s5, s6;
	[dreg:$0x0] =	wrdreg $0x0  }
0xaa: {  	s6 =	sshll.u32 s28, $0x1;
	[dreg:$0x2] =	wrdreg s5  }
0xab: {  	[dreg:$0x3] =	wrdreg s6  }
0xac: {  	[dreg:$0x4] =	wrdreg $0xC0  }
0xad: {  	_ =	task [dreg:s9], $0x5FFFF  }
0xae: {  	[dreg:$0x1] =	wrdreg $0xFFFFFFFF  }
0xaf: {  	[dreg:$0x0] =	wrdreg $0x60  }
0xb0: {  	[dreg:$0x2] =	wrdreg s2  }
0xb1: {  	[dreg:$0x3] =	wrdreg s19  }
0xb2: {  	[dreg:$0x4] =	wrdreg s4  }
0xb3: {  	[dreg:$0x5] =	wrdreg $0x39000  }
0xb4: {  	[dreg:$0x6] =	wrdreg $0x9  }
0xb5: {  	_ =	task.clear_ibuf [dreg:s9], $0x7FFFF;
	_ =	strace $0x90000046  }
0xb6: {  	s29 =	simm.s32 $0x9;
	_ =	strace $0x80000048  }
0xb7: {  	_ =	swait.ge [sflag:s29], $0x1  }
0xb8: {  	[sflag:s29] =	ssyncadd.s32 $0xFFFFFFFF  }
0xb9: {  	_ =	strace $0x90000048  }
0xba: {  	_ =	sfence  }
0xbb: {  	s30 =	sld [smem:$0x0];
	_ =	sdelay $0x2  }
0xbc: {  	s31 =	sshll.u32 s1, $0xD;
	s1 =	sshrl.u32 s1, $0x2  }
0xbd: {  	s3 =	sand.u32 $0x4000, s31;
	s1 =	sadd.s32 s1, s30  }
0xbe: {  	s0 =	sor.u32 s3, s0;
	s1 =	sshll.u32 s1, $0x11  }
0xbf: {  	s0 =	sor.u32 s1, s0  }
0xc0: {  	s0 =	sadd.s32 $0x8F2B, s0  }
0xc1: {  	[sflag:s0] =	ssyncadd.remote.s32 $0x1  }
0xc2: {  	_ =	sfence.sel $0xFFFF  }
0xc3: {  	[dreg:$0x0] =	wrdreg $0xFFFFFFFF;
	(pc) =	sbr.abs _section_cstart, $3  }
0xc4: {  	[dreg:$0x1] =	wrdreg $0xFFFFFFFF  }
0xc5: {  	_ =	task.clear_ibuf [dreg:s9], $0x2FFFF;
	_ =	strace $0x9FFFFFFF  }
0xc6: {  	(tm) =	ssettm $0x7FFFFFFF  }
0xc7: {  	_ =	shalt  }
tec
execute0_lowered:
.L_overlay_start_1:
0x0: {  	(tag) =	ssettag $0x1  }
0x1: {  	s0 =	rddreg [dreg:$0x0]  }
0x2: {  	s1 =	rddreg [dreg:$0x1]  }
0x3: {  	s10 =	rddreg [dreg:$0x2]  }
0x4: {  	s3 =	srdreg.scid;
	s2 =	rddreg [dreg:$0x3]  }
0x5: {  	s4 =	stileid.u32;
	s12 =	simm.s32 $0x800;
	s13 =	simm.s32 $0x1  }
0x6: {  	s14 =	simm.s32 $0x2;
	s15 =	simm.s32 $0x3080;
	s16 =	simm.s32 $0x3  }
0x7: {  	s17 =	simm.s32 $0x3100;
	s19 =	simm.s32 $0x1000;
	s20 =	simm.s32 $0x0  }
0x8: {  	s5 =	sand.u32 $0x1, s3;
	s3 =	simm.s32 $0x0;
	s18 =	sshll.u32 s4, $0xC  }
0x9: {  	s28 =	sshll.u32 s4, $0x9;
	s6 =	ssub.s32 $0x2, s5;
	[smem:$0x7FF] =	sst s3  }
.Ltmp0:
0xa: {  	s29 =	sshll.u32 s5, $0x10;
	s5 =	sadd.s32 s0, s28;
	(pc) =	sbr.rel .LBB2_1-.Ltmp0, $4  }
0xb: {  	s30 =	sshrl.u32 s28, $0x2;
	s7 =	sshrl.u32 s6, $0x1;
	_ =	strace $0x80000047  }
0xc: {  	v0 =	vlaneseq.u32;
	s8 =	sadd.s32 s30, s2;
	s11 =	ssub.s32 s6, s7;
	s6 =	sor.u32 s18, s29  }
0xd: {  	v1 =	vor.u32 s18, v0;
	s7 =	sadd.s32 $0x100, s5;
	s18 =	simm.s32 $0x2080;
	s31 =	sshrl.u32 s6, $0x3  }
0xe: {  	v3 =	vimm.f32 $+Inf;
	s9 =	sadd.s32 $0x1000, s6;
	s11 =	smax.u32 s11, $0x1;
	v2 =	vor.u32 s6, v0;
	s10 =	sadd.s32 s10, s31  }
.LBB2_12:
0xf: {  	_ =	sdelay $0x3  }
0x10: {  	v12 =	vld.idx.msk [tilespmem:v12+s19+$0x0], $0xffff  }
0x11: {  	v13 =	vmin.u32 v13, $0x100F;
	v11 =	vld.idx.msk [tilespmem:v11+s19+$0x0], $0xffff;
	s28 =	sadd.s32 $0x80, s28  }
0x12: {  	v8 =	vnsel vm0, $0x0, v8;
	v6 =	vadd.s32 s0, v6;
	v9 =	vnsel vm1, $0x0, v9;
	v21 =	vld [tilespmem:s28+$0xFFFFFFC0]  }
0x13: {  	v10 =	vnsel vm2, $0x0, v10;
	vm12 =	vgt.s32 v7, $0x0;
	v14 =	vor.u32 s21, v2;
	v22 =	vld [tilespmem:s28+$0xFFFFFFD0]  }
0x14: {  	v51 =	vor.u32 s24, v2;
	v15 =	vor.u32 s22, v2;
	v16 =	vor.u32 s23, v2;
	v53 =	vld [tilespmem:s28+$0xFFFFFFE0]  }
0x15: {  	v18 =	vor.u32 s29, v2;
	v19 =	vor.u32 s26, v2;
	v8 =	vmin.u32 v8, $0x100F;
	v54 =	vld [tilespmem:s28+$0xFFFFFFF0]  }
0x16: {  	v20 =	vor.u32 s25, v2;
	v6 =	vadd.s32 v0, v6;
	v9 =	vmin.u32 v9, $0x100F;
	v55 =	vld [tilespmem:s28+$0x0]  }
0x17: {  	v10 =	vmin.u32 v10, $0x100F;
	v7 =	vnsel vm12, $0x0, v7;
	v56 =	vld [tilespmem:s28+$0x10];
	vm11 =	vgt.s32 v6, $0x0  }
0x18: {  	v52 =	vor.u32 s0, v2;
	v59 =	vld [tilespmem:s28+$0x20];
	v7 =	vmin.u32 v7, $0x100F;
	v6 =	vnsel vm11, $0x0, v6  }
0x19: {  	vm13 =	vlt.s32 v14, v4;
	vm14 =	vlt.s32 v14, v5;
	v6 =	vmin.u32 v6, $0x100F;
	v13 =	vld.idx.msk [tilespmem:v13+s19+$0x0], $0xffff  }
0x1a: {  	vm15 =	vlt.s32 v51, v4;
	vm3 =	vlt.s32 v51, v5;
	vm4 =	vlt.s32 v15, v4;
	v8 =	vld.idx.msk [tilespmem:v8+s19+$0x0], $0xffff  }
0x1b: {  	vm5 =	vlt.s32 v15, v5;
	vm6 =	vlt.s32 v52, v5;
	vm7 =	vlt.s32 v16, v4;
	v9 =	vld.idx.msk [tilespmem:v9+s19+$0x0], $0xffff  }
0x1c: {  	vm8 =	vlt.s32 v52, v4;
	vm9 =	vlt.s32 v18, v4;
	v12 =	vnsel vm14, $0x7F800000, v12;
	v10 =	vld.idx.msk [tilespmem:v10+s19+$0x0], $0xffff  }
0x1d: {  	s31 =	sadd.s32 $0x80, s30;
	vm10 =	vlt.s32 v19, v4;
	v11 =	vnsel vm3, $0x7F800000, v11;
	v12 =	vsel vm13, v21, v12;
	v7 =	vld.idx.msk [tilespmem:v7+s19+$0x0], $0xffff  }
0x1e: {  	vm11 =	vlt.s32 v16, v5;
	v57 =	vsel vm15, v22, v11;
	[tilespmem:s31+$0xFFFFFFC0] =	vst v12;
	v6 =	vld.idx.msk [tilespmem:v6+s19+$0x0], $0xffff;
	v58 =	vnsel vm5, $0x7F800000, v13  }
0x1f: {  	v17 =	vld [tilespmem:s28+$0x30];
	vm12 =	vlt.s32 v18, v5;
	[tilespmem:s31+$0xFFFFFFD0] =	vst v57;
	v60 =	vsel vm4, v53, v58;
	v8 =	vnsel vm11, $0x7F800000, v8  }
0x20: {  	vm13 =	vlt.s32 v19, v5;
	v62 =	vnsel vm12, $0x7F800000, v9;
	[tilespmem:s31+$0xFFFFFFE0] =	vst v60;
	v61 =	vsel vm7, v54, v8  }
0x21: {  	vm14 =	vlt.s32 v20, v5;
	v63 =	vnsel vm13, $0x7F800000, v10;
	v5 =	vsel vm9, v55, v62;
	[tilespmem:s31+$0xFFFFFFF0] =	vst v61  }
0x22: {  	vm15 =	vlt.s32 v20, v4;
	v4 =	vsel vm10, v56, v63;
	[tilespmem:s31+$0x0] =	vst v5;
	v5 =	vnsel vm14, $0x7F800000, v7  }
0x23: {  	[tilespmem:s31+$0x10] =	vst v4;
	v6 =	vnsel vm6, $0x7F800000, v6;
	v4 =	vsel vm15, v59, v5  }
0x24: {  	v6 =	vsel vm8, v17, v6;
	[tilespmem:s31+$0x20] =	vst v4  }
0x25: {  	[tilespmem:s31+$0x30] =	vst v6  }
.LBB2_13:
0x26: {  	[hbm4b:s10+s3] =	stream.linear.scatter [tilespmem:s18], [sflag:$0x3], $0x1000, $0x38;
	[tilespmem:$0x3910] =	vst v63  }
0x27: {  	_ =	swait.ge [sflag:s16], $0x1000  }
0x28: {  	[sflag:s16] =	ssyncset.done $0x0  }
0x29: {  	[sflag:s16] =	ssyncadd.s32 $0xFFFFF000  }
.LBB2_14:
0x2a: {  	s20 =	sadd.s32 $0x1, s20  }
0x2b: {  	p0 =	sne.s32 s20, s11  }
.Ltmp1:
0x2c: {  	_ = 	snop;
	(pc) =	sbr.rel @!p0 .LBB2_15-.Ltmp1, $1  }
0x2d: {  	_ =	sdelay $0x3  }
.LBB2_1:
0x2e: {  	[tilespmem:s3], [sflag:$0x1] =	stream.linear.gather [hbm4b:s5+s3], $0x800, $0x38;
	[tilespmem:$0x3910] =	vst v63  }
0x2f: {  	_ = 	snop  }
0x30: {  	[tilespmem:s12], [sflag:$0x2] =	stream.linear.gather [hbm4b:s7+s3], $0x800, $0x38;
	[tilespmem:$0x3910] =	vst v63  }
0x31: {  	_ =	swait.ge [sflag:s13], $0x800  }
0x32: {  	[sflag:s13] =	ssyncset.done $0x0  }
0x33: {  	s0 =	simm.s32 $0x40;
	[sflag:s13] =	ssyncadd.s32 $0xFFFFF800  }
0x34: {  	v4 =	vld [tilespmem:s0+$0xFFFFFFC0];
	_ =	sdelay $0x1  }
0x35: {  	v5 =	vld [tilespmem:s0+$0xFFFFFFD0];
	_ =	sdelay $0x1  }
0x36: {  	v6 =	vld [tilespmem:s0+$0xFFFFFFE0]  }
0x37: {  	vm0 =	vclass.f32 v4, $0x102;
	v4 =	vmov s3  }
0x38: {  	v7 =	vimm.s32 $0x10000;
	s21 =	simm.s32 $0x10;
	v8 =	vld [tilespmem:s0+$0xFFFFFFF0];
	v4 =	vnsel vm0, $0x10000, v4  }
0x39: {  	vm1 =	vclass.f32 v5, $0x102;
	v5 =	vmov s21;
	vm0 =	vlt.s32 v7, v4  }
0x3a: {  	s29 =	simm.s32 $0x20;
	v5 =	vnsel vm1, $0x10000, v5;
	v4 =	vsel vm0, v7, v4;
	v7 =	vld [tilespmem:s0+$0x0]  }
0x3b: {  	vm12 =	vclass.f32 v6, $0x102;
	v6 =	vmov s29;
	vm0 =	vlt.s32 v4, v5  }
0x3c: {  	s30 =	simm.s32 $0x30;
	v9 =	vld [tilespmem:s0+$0x10];
	v4 =	vsel vm0, v4, v5;
	v5 =	vnsel vm12, $0x10000, v6  }
0x3d: {  	vm13 =	vclass.f32 v8, $0x102;
	v6 =	vmov s30;
	vm0 =	vlt.s32 v4, v5  }
0x3e: {  	s31 =	simm.s32 $0x40;
	v4 =	vsel vm0, v4, v5;
	v5 =	vnsel vm13, $0x10000, v6;
	v6 =	vld [tilespmem:s0+$0x20]  }
0x3f: {  	vm0 =	vlt.s32 v4, v5;
	vm14 =	vclass.f32 v7, $0x102;
	v7 =	vmov s31  }
0x40: {  	s22 =	simm.s32 $0x50;
	v8 =	vsel vm0, v4, v5;
	v7 =	vnsel vm14, $0x10000, v7;
	v4 =	vld [tilespmem:s0+$0x30]  }
0x41: {  	s23 =	simm.s32 $0x100;
	vm15 =	vclass.f32 v9, $0x102;
	v9 =	vmov s22;
	s22 =	simm.s32 $0xC0;
	vm0 =	vlt.s32 v8, v7  }
0x42: {  	s24 =	simm.s32 $0x60;
	s21 =	simm.s32 $0x80;
	v5 =	vld [tilespmem:s22+$0xFFFFFFC0];
	s0 =	simm.s32 $0x0;
	v7 =	vsel vm0, v8, v7;
	v8 =	vnsel vm15, $0x10000, v9  }
.LBB2_2:
0x43: {  	p0 =	slt.u32 s23, $0x780;
	vm0 =	vlt.s32 v7, v8;
	vm1 =	vclass.f32 v6, $0x102;
	v6 =	vmov s24  }
0x44: {  	s24 =	sadd.s32 $0x70, s0;
	s0 =	smov.u32 s21;
	s21 =	smov.u32 s23;
	v9 =	vld [tilespmem:s22+$0xFFFFFFD0];
	v7 =	vsel vm0, v7, v8;
	v6 =	vnsel vm1, $0x10000, v6  }
0x45: {  	vm0 =	vlt.s32 v7, v6;
	vm1 =	vclass.f32 v4, $0x102;
	v4 =	vmov s24  }
0x46: {  	v8 =	vld [tilespmem:s22+$0xFFFFFFE0];
	v6 =	vsel vm0, v7, v6;
	v4 =	vnsel vm1, $0x10000, v4  }
0x47: {  	vm0 =	vclass.f32 v5, $0x102;
	v5 =	vmov s0;
	vm1 =	vlt.s32 v6, v4  }
0x48: {  	s24 =	sadd.s32 $0x10, s0;
	v5 =	vnsel vm0, $0x10000, v5;
	v7 =	vld [tilespmem:s22+$0xFFFFFFF0];
	v4 =	vsel vm1, v6, v4  }
0x49: {  	v6 =	vmov s24;
	vm0 =	vlt.s32 v4, v5;
	vm1 =	vclass.f32 v9, $0x102  }
0x4a: {  	s24 =	sadd.s32 $0x20, s0;
	v4 =	vsel vm0, v4, v5;
	v5 =	vnsel vm1, $0x10000, v6;
	v9 =	vld [tilespmem:s22+$0x0]  }
0x4b: {  	v6 =	vmov s24;
	vm0 =	vlt.s32 v4, v5;
	vm1 =	vclass.f32 v8, $0x102  }
0x4c: {  	s24 =	sadd.s32 $0x30, s0;
	v4 =	vsel vm0, v4, v5;
	v5 =	vnsel vm1, $0x10000, v6;
	v8 =	vld [tilespmem:s22+$0x10]  }
0x4d: {  	v6 =	vmov s24;
	vm0 =	vlt.s32 v4, v5;
	vm1 =	vclass.f32 v7, $0x102  }
.Ltmp2:
0x4e: {  	s24 =	sadd.s32 $0x40, s0;
	v4 =	vsel vm0, v4, v5;
	v5 =	vnsel vm1, $0x10000, v6;
	v6 =	vld [tilespmem:s22+$0x20];
	(pc) =	sbr.rel @p0 .LBB2_2-.Ltmp2, $4  }
0x4f: {  	v7 =	vmov s24;
	vm0 =	vlt.s32 v4, v5;
	vm1 =	vclass.f32 v9, $0x102  }
0x50: {  	s24 =	sadd.s32 $0x50, s0;
	v9 =	vsel vm0, v4, v5;
	v7 =	vnsel vm1, $0x10000, v7;
	v4 =	vld [tilespmem:s22+$0x30]  }
0x51: {  	s22 =	sadd.s32 $0x80, s22;
	vm0 =	vlt.s32 v9, v7;
	vm1 =	vclass.f32 v8, $0x102;
	v8 =	vmov s24  }
0x52: {  	s23 =	sadd.s32 $0x80, s23;
	s24 =	sadd.s32 $0x60, s0;
	v5 =	vld [tilespmem:s22+$0xFFFFFFC0];
	v7 =	vsel vm0, v9, v7;
	v8 =	vnsel vm1, $0x10000, v8  }
0x53: {  	vm0 =	vlt.s32 v7, v8;
	vm1 =	vclass.f32 v6, $0x102;
	v6 =	vmov s24  }
0x54: {  	v9 =	vld [tilespmem:s22+$0xFFFFFFD0];
	s0 =	sadd.s32 $0x70, s0;
	v7 =	vsel vm0, v7, v8;
	v6 =	vnsel vm1, $0x10000, v6  }
0x55: {  	vm0 =	vlt.s32 v7, v6;
	vm13 =	vclass.f32 v4, $0x102;
	v4 =	vmov s0  }
0x56: {  	v8 =	vld [tilespmem:s22+$0xFFFFFFE0];
	v6 =	vsel vm0, v7, v6;
	v4 =	vnsel vm13, $0x10000, v4  }
0x57: {  	vm14 =	vclass.f32 v5, $0x102;
	v5 =	vmov s21;
	vm1 =	vlt.s32 v6, v4  }
0x58: {  	s28 =	sadd.s32 $0x10, s21;
	v7 =	vld [tilespmem:s22+$0xFFFFFFF0];
	v5 =	vnsel vm14, $0x10000, v5;
	v4 =	vsel vm1, v6, v4  }
0x59: {  	vm15 =	vclass.f32 v9, $0x102;
	v6 =	vmov s28;
	vm0 =	vlt.s32 v4, v5  }
0x5a: {  	s29 =	sadd.s32 $0x20, s21;
	v4 =	vsel vm0, v4, v5;
	v5 =	vnsel vm15, $0x10000, v6;
	v6 =	vld [tilespmem:s22+$0x0]  }
0x5b: {  	vm4 =	vclass.f32 v8, $0x102;
	v8 =	vmov s29;
	vm0 =	vlt.s32 v4, v5  }
0x5c: {  	s30 =	sadd.s32 $0x30, s21;
	v4 =	vsel vm0, v4, v5;
	v5 =	vnsel vm4, $0x10000, v8;
	v8 =	vld [tilespmem:s22+$0x10]  }
0x5d: {  	vm5 =	vclass.f32 v7, $0x102;
	v7 =	vmov s30;
	vm0 =	vlt.s32 v4, v5  }
0x5e: {  	s31 =	sadd.s32 $0x40, s21;
	v9 =	vld [tilespmem:s22+$0x20];
	v4 =	vsel vm0, v4, v5;
	v5 =	vnsel vm5, $0x10000, v7  }
0x5f: {  	v7 =	vld [tilespmem:s22+$0x30];
	_ =	swait.ge [sflag:s14], $0x800;
	vm0 =	vlt.s32 v4, v5;
	vm6 =	vclass.f32 v6, $0x102;
	v6 =	vmov s31  }
0x60: {  	s23 =	sadd.s32 $0x50, s21;
	[sflag:s14] =	ssyncset.done $0x0;
	v4 =	vsel vm0, v4, v5;
	v5 =	vnsel vm6, $0x10000, v6  }
0x61: {  	s0 =	simm.s32 $0x870;
	v6 =	vmov s23;
	[sflag:s14] =	ssyncadd.s32 $0xFFFFF800;
	vm0 =	vlt.s32 v4, v5;
	vm7 =	vclass.f32 v8, $0x102  }
0x62: {  	s24 =	sadd.s32 $0x60, s21;
	v4 =	vsel vm0, v4, v5;
	v5 =	vnsel vm7, $0x10000, v6;
	v6 =	vld [tilespmem:s0+$0xFFFFFF90]  }
0x63: {  	vm8 =	vclass.f32 v9, $0x102;
	v8 =	vmov s24;
	vm0 =	vlt.s32 v4, v5  }
0x64: {  	s25 =	sadd.s32 $0x70, s21;
	v4 =	vsel vm0, v4, v5;
	v5 =	vnsel vm8, $0x10000, v8;
	v8 =	vld [tilespmem:s0+$0xFFFFFFA0]  }
0x65: {  	vm9 =	vclass.f32 v7, $0x102;
	v7 =	vmov s25;
	vm0 =	vlt.s32 v4, v5  }
0x66: {  	s23 =	simm.s32 $0x800;
	v4 =	vsel vm0, v4, v5;
	v5 =	vnsel vm9, $0x10000, v7;
	v7 =	vld [tilespmem:s0+$0xFFFFFFB0]  }
0x67: {  	vm0 =	vlt.s32 v4, v5;
	vm10 =	vclass.f32 v6, $0x102;
	v6 =	vmov s23  }
0x68: {  	s26 =	simm.s32 $0x810;
	v4 =	vsel vm0, v4, v5;
	v5 =	vnsel vm10, $0x10000, v6;
	v6 =	vld [tilespmem:s0+$0xFFFFFFC0]  }
0x69: {  	vm0 =	vlt.s32 v4, v5;
	vm11 =	vclass.f32 v8, $0x102;
	v8 =	vmov s26  }
0x6a: {  	s28 =	simm.s32 $0x820;
	v4 =	vsel vm0, v4, v5;
	v5 =	vnsel vm11, $0x10000, v8;
	v8 =	vld [tilespmem:s0+$0xFFFFFFD0]  }
0x6b: {  	vm0 =	vlt.s32 v4, v5;
	vm12 =	vclass.f32 v7, $0x102;
	v7 =	vmov s28  }
0x6c: {  	s29 =	simm.s32 $0x830;
	v4 =	vsel vm0, v4, v5;
	v5 =	vnsel vm12, $0x10000, v7;
	v7 =	vld [tilespmem:s0+$0xFFFFFFE0]  }
0x6d: {  	vm0 =	vlt.s32 v4, v5;
	vm13 =	vclass.f32 v6, $0x102;
	v6 =	vmov s29  }
0x6e: {  	s30 =	simm.s32 $0x840;
	v4 =	vsel vm0, v4, v5;
	v5 =	vnsel vm13, $0x10000, v6;
	v6 =	vld [tilespmem:s0+$0xFFFFFFF0]  }
0x6f: {  	vm0 =	vlt.s32 v4, v5;
	vm14 =	vclass.f32 v8, $0x102;
	v8 =	vmov s30  }
0x70: {  	s31 =	simm.s32 $0x850;
	v9 =	vsel vm0, v4, v5;
	v8 =	vnsel vm14, $0x10000, v8;
	v4 =	vld [tilespmem:s0+$0x0]  }
0x71: {  	s22 =	simm.s32 $0x8F0;
	v10 =	vmov s31;
	vm0 =	vlt.s32 v9, v8;
	vm15 =	vclass.f32 v7, $0x102  }
0x72: {  	s21 =	simm.s32 $0x880;
	s24 =	simm.s32 $0x860;
	v5 =	vld [tilespmem:s22+$0xFFFFFF90];
	s0 =	simm.s32 $0x900;
	v7 =	vsel vm0, v9, v8;
	v8 =	vnsel vm15, $0x10000, v10  }
.LBB2_4:
0x73: {  	p0 =	slt.u32 s0, $0xF80;
	vm0 =	vlt.s32 v7, v8;
	vm1 =	vclass.f32 v6, $0x102;
	v6 =	vmov s24  }
0x74: {  	s24 =	sadd.s32 $0x70, s23;
	s23 =	smov.u32 s21;
	s21 =	smov.u32 s0;
	v9 =	vld [tilespmem:s22+$0xFFFFFFA0];
	v7 =	vsel vm0, v7, v8;
	v6 =	vnsel vm1, $0x10000, v6  }
0x75: {  	vm0 =	vlt.s32 v7, v6;
	vm1 =	vclass.f32 v4, $0x102;
	v4 =	vmov s24  }
0x76: {  	v8 =	vld [tilespmem:s22+$0xFFFFFFB0];
	v6 =	vsel vm0, v7, v6;
	v4 =	vnsel vm1, $0x10000, v4  }
0x77: {  	vm0 =	vclass.f32 v5, $0x102;
	v5 =	vmov s23;
	vm1 =	vlt.s32 v6, v4  }
0x78: {  	s24 =	sadd.s32 $0x10, s23;
	v5 =	vnsel vm0, $0x10000, v5;
	v7 =	vld [tilespmem:s22+$0xFFFFFFC0];
	v4 =	vsel vm1, v6, v4  }
0x79: {  	v6 =	vmov s24;
	vm0 =	vlt.s32 v4, v5;
	vm1 =	vclass.f32 v9, $0x102  }
0x7a: {  	s24 =	sadd.s32 $0x20, s23;
	v4 =	vsel vm0, v4, v5;
	v5 =	vnsel vm1, $0x10000, v6;
	v9 =	vld [tilespmem:s22+$0xFFFFFFD0]  }
0x7b: {  	v6 =	vmov s24;
	vm0 =	vlt.s32 v4, v5;
	vm1 =	vclass.f32 v8, $0x102  }
0x7c: {  	s24 =	sadd.s32 $0x30, s23;
	v4 =	vsel vm0, v4, v5;
	v5 =	vnsel vm1, $0x10000, v6;
	v8 =	vld [tilespmem:s22+$0xFFFFFFE0]  }
0x7d: {  	v6 =	vmov s24;
	vm0 =	vlt.s32 v4, v5;
	vm1 =	vclass.f32 v7, $0x102  }
.Ltmp3:
0x7e: {  	s24 =	sadd.s32 $0x40, s23;
	v4 =	vsel vm0, v4, v5;
	v5 =	vnsel vm1, $0x10000, v6;
	v6 =	vld [tilespmem:s22+$0xFFFFFFF0];
	(pc) =	sbr.rel @p0 .LBB2_4-.Ltmp3, $4  }
0x7f: {  	v7 =	vmov s24;
	vm0 =	vlt.s32 v4, v5;
	vm1 =	vclass.f32 v9, $0x102  }
0x80: {  	s24 =	sadd.s32 $0x50, s23;
	v9 =	vsel vm0, v4, v5;
	v7 =	vnsel vm1, $0x10000, v7;
	v4 =	vld [tilespmem:s22+$0x0]  }
0x81: {  	s22 =	sadd.s32 $0x80, s22;
	vm0 =	vlt.s32 v9, v7;
	vm1 =	vclass.f32 v8, $0x102;
	v8 =	vmov s24  }
0x82: {  	s0 =	sadd.s32 $0x80, s0;
	s24 =	sadd.s32 $0x60, s23;
	v5 =	vld [tilespmem:s22+$0xFFFFFF90];
	v7 =	vsel vm0, v9, v7;
	v8 =	vnsel vm1, $0x10000, v8  }
0x83: {  	vm0 =	vlt.s32 v7, v8;
	vm1 =	vclass.f32 v6, $0x102;
	v40 =	vmov s24  }
0x84: {  	v9 =	vld [tilespmem:s22+$0xFFFFFFA0];
	s0 =	sadd.s32 $0x70, s23;
	v7 =	vsel vm0, v7, v8;
	v6 =	vnsel vm1, $0x10000, v40  }
0x85: {  	vm0 =	vlt.s32 v7, v6;
	vm5 =	vclass.f32 v4, $0x102;
	v4 =	vmov s0  }
0x86: {  	v41 =	vld [tilespmem:s22+$0xFFFFFFB0];
	v6 =	vsel vm0, v7, v6;
	v4 =	vnsel vm5, $0x10000, v4  }
0x87: {  	vm6 =	vclass.f32 v5, $0x102;
	v5 =	vmov s21;
	vm1 =	vlt.s32 v6, v4  }
0x88: {  	s31 =	sadd.s32 $0x10, s21;
	v42 =	vld [tilespmem:s22+$0xFFFFFFC0];
	v5 =	vnsel vm6, $0x10000, v5;
	v4 =	vsel vm1, v6, v4  }
0x89: {  	v43 =	vmov s31;
	vm7 =	vclass.f32 v9, $0x102;
	vm0 =	vlt.s32 v4, v5  }
0x8a: {  	s23 =	sadd.s32 $0x20, s21;
	v44 =	vld [tilespmem:s22+$0xFFFFFFD0];
	v4 =	vsel vm0, v4, v5;
	v5 =	vnsel vm7, $0x10000, v43  }
0x8b: {  	v45 =	vmov s23;
	vm8 =	vclass.f32 v41, $0x102;
	vm0 =	vlt.s32 v4, v5  }
0x8c: {  	s24 =	sadd.s32 $0x30, s21;
	v46 =	vld [tilespmem:s22+$0xFFFFFFE0];
	v4 =	vsel vm0, v4, v5;
	v5 =	vnsel vm8, $0x10000, v45  }
0x8d: {  	v47 =	vmov s24;
	vm9 =	vclass.f32 v42, $0x102;
	vm0 =	vlt.s32 v4, v5  }
0x8e: {  	s25 =	sadd.s32 $0x40, s21;
	v48 =	vld [tilespmem:s22+$0xFFFFFFF0];
	v4 =	vsel vm0, v4, v5;
	v5 =	vnsel vm9, $0x10000, v47  }
0x8f: {  	v49 =	vmov s25;
	vm10 =	vclass.f32 v44, $0x102;
	vm0 =	vlt.s32 v4, v5  }
0x90: {  	s26 =	sadd.s32 $0x50, s21;
	v50 =	vld [tilespmem:s22+$0x0];
	v4 =	vsel vm0, v4, v5;
	v5 =	vnsel vm10, $0x10000, v49  }
0x91: {  	v51 =	vmov s26;
	vm11 =	vclass.f32 v46, $0x102;
	vm0 =	vlt.s32 v4, v5  }
0x92: {  	s28 =	sadd.s32 $0x60, s21;
	v4 =	vsel vm0, v4, v5;
	v5 =	vnsel vm11, $0x10000, v51  }
0x93: {  	v52 =	vmov s28;
	vm12 =	vclass.f32 v48, $0x102;
	vm0 =	vlt.s32 v4, v5  }
0x94: {  	s29 =	sadd.s32 $0x70, s21;
	v4 =	vsel vm0, v4, v5;
	v5 =	vnsel vm12, $0x10000, v52  }
0x95: {  	v53 =	vmov s29;
	vm13 =	vclass.f32 v50, $0x102;
	vm0 =	vlt.s32 v4, v5  }
0x96: {  	v4 =	vsel vm0, v4, v5;
	v5 =	vnsel vm13, $0x10000, v53  }
0x97: {  	vm0 =	vlt.s32 v4, v5  }
0x98: {  	v4 =	vsel vm0, v4, v5  }
0x99: {  	v4 =	vadd.s32 v4, v1  }
0x9a: {  	vm14 =	vlt.s32 v4, $0x10000  }
0x9b: {  	v4 =	vnsel vm14, $0x10000, v4  }
0x9c: {  	[tilespmem:$0x3080] =	vst v4  }
0x9d: {  	[spmem:s8] =	stream.linear.scatter [tilespmem:s15], [sflag:$0x3], $0x80, $0x38;
	[tilespmem:$0x3910] =	vst v63  }
0x9e: {  	_ =	swait.ge [sflag:s16], $0x80  }
0x9f: {  	[sflag:s16] =	ssyncset.done $0x0  }
0xa0: {  	[sflag:s16] =	ssyncadd.s32 $0xFFFFFF80  }
0xa1: {  	[bflag:$0x0] =	sbarrier.arrive $0xFFFF  }
0xa2: {  	[tilespmem:s17], [sflag:$0x3] =	stream.linear.gather [spmem:s2], $0x800, $0x38;
	[tilespmem:$0x3910] =	vst v63  }
0xa3: {  	_ =	swait.ge [sflag:s16], $0x800  }
0xa4: {  	[sflag:s16] =	ssyncset.done $0x0  }
0xa5: {  	[sflag:s16] =	ssyncadd.s32 $0xFFFFF800  }
0xa6: {  	v4 =	vld [tilespmem:$0x3100]  }
0xa7: {  	v5 =	vld [tilespmem:$0x3180];
	_ =	sdelay $0x1  }
0xa8: {  	v54 =	vld [tilespmem:$0x3200];
	_ =	sdelay $0x1  }
0xa9: {  	v55 =	vld [tilespmem:$0x3280]  }
0xaa: {  	vm15 =	vlt.s32 v4, v5  }
0xab: {  	v4 =	vsel vm15, v4, v5;
	v5 =	vld [tilespmem:$0x3300]  }
0xac: {  	vm0 =	vlt.s32 v4, v54  }
0xad: {  	v56 =	vld [tilespmem:$0x3380];
	v4 =	vsel vm0, v4, v54  }
0xae: {  	vm0 =	vlt.s32 v4, v55  }
0xaf: {  	v57 =	vld [tilespmem:$0x3400];
	v4 =	vsel vm0, v4, v55  }
0xb0: {  	vm0 =	vlt.s32 v4, v5  }
0xb1: {  	v4 =	vsel vm0, v4, v5;
	v5 =	vld [tilespmem:$0x3480]  }
0xb2: {  	vm0 =	vlt.s32 v4, v56  }
0xb3: {  	v58 =	vld [tilespmem:$0x3500];
	v4 =	vsel vm0, v4, v56  }
0xb4: {  	vm0 =	vlt.s32 v4, v57  }
0xb5: {  	v59 =	vld [tilespmem:$0x3580];
	v4 =	vsel vm0, v4, v57  }
0xb6: {  	vm0 =	vlt.s32 v4, v5  }
0xb7: {  	v4 =	vsel vm0, v4, v5;
	v5 =	vld [tilespmem:$0x3600]  }
0xb8: {  	vm0 =	vlt.s32 v4, v58  }
0xb9: {  	v60 =	vld [tilespmem:$0x3680];
	v4 =	vsel vm0, v4, v58  }
0xba: {  	vm0 =	vlt.s32 v4, v59  }
0xbb: {  	v61 =	vld [tilespmem:$0x3700];
	v4 =	vsel vm0, v4, v59  }
0xbc: {  	vm0 =	vlt.s32 v4, v5  }
0xbd: {  	v4 =	vsel vm0, v4, v5;
	v5 =	vld [tilespmem:$0x3780]  }
0xbe: {  	vm0 =	vlt.s32 v4, v60  }
0xbf: {  	v62 =	vld [tilespmem:$0x3800];
	v4 =	vsel vm0, v4, v60  }
0xc0: {  	vm0 =	vlt.s32 v4, v61  }
0xc1: {  	v63 =	vld [tilespmem:$0x3880];
	v4 =	vsel vm0, v4, v61  }
0xc2: {  	vm0 =	vlt.s32 v4, v5  }
0xc3: {  	v4 =	vsel vm0, v4, v5  }
0xc4: {  	vm0 =	vlt.s32 v4, v62  }
0xc5: {  	v4 =	vsel vm0, v4, v62  }
0xc6: {  	vm0 =	vlt.s32 v4, v63  }
0xc7: {  	v4 =	vsel vm0, v4, v63  }
0xc8: {  	(v2sf) =	vpush v4, $0x0  }
0xc9: {  	(v2sf) =	vpush v4, $0x1;
	_ =	sdelay $0x1  }
0xca: {  	(v2sf) =	vpush v4, $0x2;
	_ =	sdelay $0x1  }
0xcb: {  	(v2sf) =	vpush v4, $0x3;
	_ =	sdelay $0x1  }
0xcc: {  	(v2sf) =	vpush v4, $0x4;
	_ =	sdelay $0x1  }
0xcd: {  	(v2sf) =	vpush v4, $0x5;
	_ =	sdelay $0x1  }
0xce: {  	(v2sf) =	vpush v4, $0x6;
	_ =	sdelay $0x1  }
0xcf: {  	(v2sf) =	vpush v4, $0x7;
	_ =	sdelay $0x1  }
0xd0: {  	s0 =	spop (v2sf);
	(v2sf) =	vpush v4, $0x8  }
0xd1: {  	s21 =	spop (v2sf)  }
0xd2: {  	(v2sf) =	vpush v4, $0x9;
	p0 =	slt.s32 s0, s21  }
0xd3: {  	s21 =	smov.u32 @p0 s0;
	s0 =	spop (v2sf)  }
0xd4: {  	(v2sf) =	vpush v4, $0xA;
	p0 =	slt.s32 s21, s0  }
0xd5: {  	s0 =	smov.u32 @p0 s21;
	s21 =	spop (v2sf)  }
0xd6: {  	(v2sf) =	vpush v4, $0xB;
	p0 =	slt.s32 s0, s21  }
0xd7: {  	s21 =	smov.u32 @p0 s0;
	s0 =	spop (v2sf)  }
0xd8: {  	(v2sf) =	vpush v4, $0xC;
	p0 =	slt.s32 s21, s0  }
0xd9: {  	s0 =	smov.u32 @p0 s21;
	s21 =	spop (v2sf)  }
0xda: {  	(v2sf) =	vpush v4, $0xD;
	p0 =	slt.s32 s0, s21  }
0xdb: {  	s21 =	smov.u32 @p0 s0;
	s0 =	spop (v2sf)  }
0xdc: {  	(v2sf) =	vpush v4, $0xE;
	p0 =	slt.s32 s21, s0  }
0xdd: {  	s0 =	smov.u32 @p0 s21;
	s21 =	spop (v2sf)  }
0xde: {  	(v2sf) =	vpush v4, $0xF;
	p0 =	slt.s32 s0, s21  }
0xdf: {  	s22 =	spop (v2sf);
	s21 =	smov.u32 @p0 s0  }
0xe0: {  	p0 =	slt.s32 s21, s22  }
0xe1: {  	s0 =	spop (v2sf);
	s22 =	smov.u32 @p0 s21  }
0xe2: {  	p0 =	slt.s32 s22, s0  }
0xe3: {  	s21 =	spop (v2sf);
	s0 =	smov.u32 @p0 s22  }
0xe4: {  	p0 =	slt.s32 s0, s21  }
0xe5: {  	s22 =	spop (v2sf);
	s21 =	smov.u32 @p0 s0  }
0xe6: {  	p0 =	slt.s32 s21, s22  }
0xe7: {  	s0 =	spop (v2sf);
	s22 =	smov.u32 @p0 s21  }
0xe8: {  	p0 =	slt.s32 s22, s0  }
0xe9: {  	s21 =	spop (v2sf);
	s0 =	smov.u32 @p0 s22  }
0xea: {  	p0 =	slt.s32 s0, s21  }
0xeb: {  	s22 =	spop (v2sf);
	s21 =	smov.u32 @p0 s0  }
0xec: {  	p0 =	slt.s32 s21, s22  }
0xed: {  	s0 =	spop (v2sf);
	s22 =	smov.u32 @p0 s21  }
0xee: {  	p0 =	slt.s32 s22, s0  }
0xef: {  	s0 =	smov.u32 @p0 s22  }
0xf0: {  	p0 =	seq.s32 s0, $0x10000  }
0xf1: {  	s0 =	simm.s32 @p0 $0x0  }
0xf2: {  	s21 =	ssub.s32 s6, s0  }
0xf3: {  	p2 =	sgt.s32 s9, s0;
	s30 =	sadd.s32 $0x1000, s21;
	s31 =	sand.u32 $0x8000000F, s21  }
0xf4: {  	s22 =	simm.s32 @!p2 $0x0;
	p5 =	slt.s32 s30, $0x10001;
	p1 =	seq.s32 s31, $0x0  }
0xf5: {  	[hbm4b:s10+s22] =	stream.linear.scatter @!p2 [tilespmem:s22], [sflag:$0x3], $0x1000, $0x38;
	[tilespmem:$0x3910] =	vst v63  }
0xf6: {  	p0 =	por !p1, !p5  }
0xf7: {  	p0 =	por !p0, !p0  }
0xf8: {  	s22 =	simm.s32 @!p2 $0x3;
	p6 =	por !p2, !p0  }
0xf9: {  	_ =	swait.ge @!p2 [sflag:s22], $0x1000;
	p1 =	por !p6, !p6  }
0xfa: {  	[sflag:s22] =	ssyncset.done @!p2 $0x0;
	s23 =	smin.u32 @p1 s21, $0xF000  }
0xfb: {  	[sflag:s22] =	ssyncadd.s32 @!p2 $0xFFFFF000;
	s22 =	sshrl.u32 @p1 s23, $0x3  }
0xfc: {  	s24 =	simm.s32 @p1 $0x1000;
	s23 =	simm.s32 @p1 $0x0;
	s22 =	sadd.s32 @p1 s1, s22  }
0xfd: {  	[tilespmem:s24], [sflag:$0x3] =	stream.linear.gather @p1 [hbm4b:s22+s23], $0x1000, $0x38;
	[tilespmem:$0x3910] =	vst v63  }
0xfe: {  	s22 =	simm.s32 @p1 $0x3  }
0xff: {  	_ =	swait.ge @p1 [sflag:s22], $0x1000  }
0x100: {  	p2 =	slt.s32 s21, $0x10000;
	[sflag:s22] =	ssyncset.done @p1 $0x0  }
.Ltmp4:
0x101: {  	[sflag:s22] =	ssyncadd.s32 @p1 $0xFFFFF000;
	(pc) =	sbr.rel @p2 .LBB2_9-.Ltmp4, $4  }
0x102: {  	[hbm4b:s10+s23] =	stream.linear.scatter @p1 [tilespmem:s24], [sflag:$0x3], $0x1000, $0x38;
	[tilespmem:$0x3910] =	vst v63  }
0x103: {  	_ =	swait.ge @p1 [sflag:s22], $0x1000  }
0x104: {  	[sflag:s22] =	ssyncset.done @p1 $0x0  }
0x105: {  	[sflag:s22] =	ssyncadd.s32 @p1 $0xFFFFF000  }
0x106: {  	s0 =	simm.s32 $0x20C0  }
0x107: {  	[tilespmem:s0+$0xFFFFFFC0] =	vst v3  }
0x108: {  	[tilespmem:s0+$0x30] =	vst v3  }
0x109: {  	[tilespmem:s0+$0x20] =	vst v3  }
0x10a: {  	[tilespmem:s0+$0x10] =	vst v3  }
0x10b: {  	[tilespmem:s0+$0x0] =	vst v3  }
0x10c: {  	[tilespmem:s0+$0xFFFFFFF0] =	vst v3  }
0x10d: {  	s21 =	simm.s32 $0x0;
	[tilespmem:s0+$0xFFFFFFE0] =	vst v3  }
.LBB2_7:
0x10e: {  	s21 =	sadd.s32 $0x80, s21;
	[tilespmem:s0+$0xFFFFFFD0] =	vst v3;
	s0 =	sadd.s32 $0x80, s0  }
0x10f: {  	[tilespmem:s0+$0xFFFFFFC0] =	vst v3;
	p0 =	slt.u32 s21, $0xF80  }
0x110: {  	[tilespmem:s0+$0x30] =	vst v3  }
.Ltmp5:
0x111: {  	[tilespmem:s0+$0x20] =	vst v3;
	(pc) =	sbr.rel @p0 .LBB2_7-.Ltmp5, $4  }
0x112: {  	[tilespmem:s0+$0x10] =	vst v3  }
0x113: {  	[tilespmem:s0+$0x0] =	vst v3  }
0x114: {  	[tilespmem:s0+$0xFFFFFFF0] =	vst v3  }
0x115: {  	[tilespmem:s0+$0xFFFFFFE0] =	vst v3  }
.Ltmp6:
0x116: {  	(pc) =	sbr.rel .LBB2_13-.Ltmp6, $2  }
0x117: {  	_ =	sdelay $0x2  }
0x118: {  	[tilespmem:s0+$0xFFFFFFD0] =	vst v3  }
.LBB2_9:
0x119: {  	p1 =	sle.s32 s9, s0  }
0x11a: {  	p2 =	sgt.s32 s21, $0xFFFF;
	p0 =	por p1, p0  }
0x11b: {  	p0 =	por p2, p0  }
.Ltmp7:
0x11c: {  	_ = 	snop;
	(pc) =	sbr.rel @p0 .LBB2_14-.Ltmp7, $1  }
0x11d: {  	_ =	sdelay $0x3  }
0x11e: {  	s22 =	sand.u32 $0xFFFFFFF0, s21;
	s24 =	simm.s32 $0x0  }
0x11f: {  	s28 =	simm.s32 $0x10;
	s29 =	simm.s32 $0x30;
	p0 =	sgt.s32 s22, $0x0  }
0x120: {  	v4 =	vmov s0;
	s31 =	simm.s32 $0x40;
	s25 =	simm.s32 $0x50;
	v16 =	vor.u32 s24, v2;
	v56 =	vor.u32 s28, v2;
	s22 =	simm.s32 @!p0 $0x0  }
0x121: {  	s26 =	simm.s32 $0x60;
	s30 =	simm.s32 $0x70;
	v18 =	vor.u32 s29, v2;
	v19 =	vor.u32 s31, v2;
	v20 =	vor.u32 s25, v2;
	s23 =	smin.u32 s22, $0xEFF0  }
0x122: {  	v21 =	vor.u32 s26, v2;
	v57 =	vor.u32 s30, v2;
	vm7 =	vlt.s32 v56, v4;
	s22 =	ssub.s32 s21, s23  }
0x123: {  	vm5 =	vlt.s32 v18, v4;
	vm4 =	vlt.s32 v19, v4;
	v6 =	vmov s22  }
0x124: {  	vm3 =	vlt.s32 v20, v4;
	vm14 =	vlt.s32 v57, v4;
	s22 =	simm.s32 $0x20;
	v5 =	vadd.s32 s24, v6  }
0x125: {  	v7 =	vadd.s32 s28, v6;
	v8 =	vadd.s32 s22, v6;
	v9 =	vadd.s32 s29, v6  }
0x126: {  	s23 =	sshrl.u32 s23, $0x3;
	v10 =	vadd.s32 s31, v6;
	v11 =	vadd.s32 s25, v6;
	v12 =	vadd.s32 s26, v6  }
0x127: {  	s21 =	sadd.s32 s1, s23;
	v13 =	vadd.s32 s30, v6;
	v17 =	vor.u32 s22, v2;
	v5 =	vadd.s32 v0, v5  }
0x128: {  	[tilespmem:s19], [sflag:$0x3] =	stream.linear.gather [hbm4b:s21+s24], $0x1010, $0x38;
	v7 =	vadd.s32 v0, v7;
	v8 =	vadd.s32 v0, v8;
	v9 =	vadd.s32 v0, v9;
	[tilespmem:$0x3910] =	vst v63  }
0x129: {  	s21 =	simm.s32 $0x80;
	s24 =	simm.s32 $0x90;
	v10 =	vadd.s32 v0, v10;
	v11 =	vadd.s32 v0, v11;
	v12 =	vadd.s32 v0, v12  }
0x12a: {  	s22 =	simm.s32 $0xA0;
	s29 =	simm.s32 $0xC0;
	_ =	swait.ge [sflag:s16], $0x1010;
	v13 =	vadd.s32 v0, v13;
	v15 =	vadd.s32 s21, v6;
	v22 =	vadd.s32 s24, v6  }
0x12b: {  	s26 =	simm.s32 $0xD0;
	v23 =	vadd.s32 s22, v6;
	v25 =	vadd.s32 s29, v6;
	vm0 =	vgt.s32 v5, $0x0;
	[sflag:s16] =	ssyncset.done $0x0  }
0x12c: {  	s28 =	simm.s32 $0x40;
	v26 =	vadd.s32 s26, v6;
	vm1 =	vgt.s32 v8, $0x0;
	v5 =	vnsel vm0, $0x0, v5;
	[sflag:s16] =	ssyncadd.s32 $0xFFFFEFF0  }
0x12d: {  	vm2 =	vgt.s32 v9, $0x0;
	v8 =	vnsel vm1, $0x0, v8;
	v5 =	vmin.u32 v5, $0x100F;
	v28 =	vld [tilespmem:s28+$0x30]  }
0x12e: {  	s25 =	simm.s32 $0xE0;
	vm0 =	vgt.s32 v7, $0x0;
	v9 =	vnsel vm2, $0x0, v9;
	v8 =	vmin.u32 v8, $0x100F;
	v29 =	vld [tilespmem:s28+$0xFFFFFFC0]  }
0x12f: {  	v27 =	vadd.s32 s25, v6;
	v7 =	vnsel vm0, $0x0, v7;
	v9 =	vmin.u32 v9, $0x100F;
	v30 =	vld [tilespmem:s28+$0xFFFFFFD0]  }
0x130: {  	vm1 =	vgt.s32 v11, $0x0;
	vm0 =	vgt.s32 v10, $0x0;
	v58 =	vld [tilespmem:s28+$0xFFFFFFE0];
	v7 =	vmin.u32 v7, $0x100F  }
0x131: {  	v11 =	vnsel vm1, $0x0, v11;
	vm1 =	vgt.s32 v12, $0x0;
	v59 =	vld [tilespmem:s28+$0xFFFFFFF0];
	v10 =	vnsel vm0, $0x0, v10  }
0x132: {  	vm0 =	vgt.s32 v13, $0x0;
	v12 =	vnsel vm1, $0x0, v12;
	v10 =	vmin.u32 v10, $0x100F;
	v14 =	vld.idx.msk [tilespmem:v5+s19+$0x0], $0xffff  }
0x133: {  	vm6 =	vlt.s32 v17, v4;
	v13 =	vnsel vm0, $0x0, v13;
	v12 =	vmin.u32 v12, $0x100F;
	v8 =	vld.idx.msk [tilespmem:v8+s19+$0x0], $0xffff  }
0x134: {  	s23 =	sadd.s32 $0x10000, s0;
	v15 =	vadd.s32 v0, v15;
	v62 =	vadd.s32 v0, v22;
	v13 =	vmin.u32 v13, $0x100F;
	v9 =	vld.idx.msk [tilespmem:v9+s19+$0x0], $0xffff  }
0x135: {  	vm2 =	vlt.s32 v21, v4;
	v11 =	vmin.u32 v11, $0x100F;
	v5 =	vmov s23;
	s23 =	simm.s32 $0xB0;
	v7 =	vld.idx.msk [tilespmem:v7+s19+$0x0], $0xffff  }
0x136: {  	v60 =	vld [tilespmem:s28+$0x0];
	vm0 =	vlt.s32 v16, v4;
	vm1 =	vlt.s32 v16, v5;
	v24 =	vadd.s32 s23, v6  }
0x137: {  	vm8 =	vlt.s32 v56, v5;
	vm9 =	vlt.s32 v17, v5;
	vm10 =	vlt.s32 v18, v5;
	v10 =	vld.idx.msk [tilespmem:v10+s19+$0x0], $0xffff  }
0x138: {  	vm11 =	vlt.s32 v19, v5;
	vm12 =	vlt.s32 v57, v5;
	vm13 =	vlt.s32 v20, v5;
	v12 =	vld.idx.msk [tilespmem:v12+s19+$0x0], $0xffff  }
0x139: {  	v13 =	vld.idx.msk [tilespmem:v13+s19+$0x0], $0xffff;
	v14 =	vnsel vm1, $0x7F800000, v14;
	vm1 =	vlt.s32 v21, v5;
	v8 =	vnsel vm9, $0x7F800000, v8  }
0x13a: {  	v11 =	vld.idx.msk [tilespmem:v11+s19+$0x0], $0xffff;
	v9 =	vnsel vm10, $0x7F800000, v9;
	v14 =	vsel vm0, v29, v14;
	v7 =	vnsel vm8, $0x7F800000, v7  }
0x13b: {  	s30 =	simm.s32 $0x20C0;
	v61 =	vld [tilespmem:s28+$0x10];
	v17 =	vsel vm6, v58, v8;
	v8 =	vadd.s32 v0, v24;
	v7 =	vsel vm7, v30, v7  }
0x13c: {  	v63 =	vld [tilespmem:s28+$0x20];
	[tilespmem:s30+$0xFFFFFFC0] =	vst v14;
	v14 =	vsel vm5, v59, v9;
	v10 =	vnsel vm11, $0x7F800000, v10;
	v9 =	vadd.s32 v0, v25  }
0x13d: {  	[tilespmem:s30+$0xFFFFFFE0] =	vst v17;
	v12 =	vnsel vm1, $0x7F800000, v12;
	vm1 =	vgt.s32 v62, $0x0;
	vm0 =	vgt.s32 v8, $0x0  }
0x13e: {  	v13 =	vnsel vm12, $0x7F800000, v13;
	vm12 =	vgt.s32 v15, $0x0;
	[tilespmem:s30+$0xFFFFFFD0] =	vst v7;
	v16 =	vsel vm4, v60, v10  }
0x13f: {  	v7 =	vnsel vm13, $0x7F800000, v11;
	v10 =	vadd.s32 v0, v26;
	[tilespmem:s30+$0xFFFFFFF0] =	vst v14;
	v13 =	vsel vm14, v28, v13  }
0x140: {  	v11 =	vsel vm3, v61, v7;
	v14 =	vnsel vm12, $0x0, v15;
	v7 =	vadd.s32 v0, v27;
	[tilespmem:s30+$0x0] =	vst v16  }
0x141: {  	v15 =	vsel vm2, v63, v12;
	[tilespmem:s30+$0x30] =	vst v13;
	v13 =	vadd.s32 v0, v23;
	v12 =	vmin.u32 v14, $0x100F  }
0x142: {  	[tilespmem:s30+$0x10] =	vst v11;
	v11 =	vnsel vm1, $0x0, v62;
	vm1 =	vgt.s32 v9, $0x0;
	vm2 =	vgt.s32 v13, $0x0  }
0x143: {  	s0 =	simm.s32 $0xF0;
	s31 =	simm.s32 $0x100;
	[tilespmem:s30+$0x20] =	vst v15;
	v11 =	vmin.u32 v11, $0x100F;
	v13 =	vnsel vm2, $0x0, v13;
	vm2 =	vgt.s32 v10, $0x0  }
.LBB2_11:
0x144: {  	p0 =	slt.u32 s31, $0xF80;
	v13 =	vmin.u32 v13, $0x100F;
	v8 =	vnsel vm0, $0x0, v8;
	v14 =	vadd.s32 s0, v6  }
0x145: {  	v9 =	vnsel vm1, $0x0, v9;
	v8 =	vmin.u32 v8, $0x100F;
	v14 =	vadd.s32 v0, v14  }
0x146: {  	v10 =	vnsel vm2, $0x0, v10;
	v9 =	vmin.u32 v9, $0x100F;
	vm0 =	vgt.s32 v14, $0x0  }
0x147: {  	vm1 =	vgt.s32 v7, $0x0;
	v10 =	vmin.u32 v10, $0x100F;
	v12 =	vld.idx.msk [tilespmem:v12+s19+$0x0], $0xffff;
	v14 =	vnsel vm0, $0x0, v14  }
0x148: {  	v7 =	vnsel vm1, $0x0, v7;
	v11 =	vld.idx.msk [tilespmem:v11+s19+$0x0], $0xffff;
	v14 =	vmin.u32 v14, $0x100F  }
0x149: {  	v15 =	vadd.s32 s31, v6;
	v16 =	vor.u32 s21, v2;
	s21 =	smov.u32 s31;
	v7 =	vmin.u32 v7, $0x100F;
	v13 =	vld.idx.msk [tilespmem:v13+s19+$0x0], $0xffff  }
0x14a: {  	vm2 =	vlt.s32 v16, v5;
	vm0 =	vlt.s32 v16, v4;
	v16 =	vor.u32 s24, v2;
	v8 =	vld.idx.msk [tilespmem:v8+s19+$0x0], $0xffff  }
0x14b: {  	v17 =	vor.u32 s22, v2;
	v18 =	vor.u32 s23, v2;
	v19 =	vor.u32 s29, v2;
	v9 =	vld.idx.msk [tilespmem:v9+s19+$0x0], $0xffff  }
0x14c: {  	s22 =	sadd.s32 $0x20, s31;
	s23 =	sadd.s32 $0x30, s31;
	v20 =	vor.u32 s26, v2;
	v21 =	vor.u32 s25, v2;
	v15 =	vadd.s32 v0, v15;
	s24 =	sadd.s32 $0x10, s31;
	v10 =	vld.idx.msk [tilespmem:v10+s19+$0x0], $0xffff  }
0x14d: {  	s29 =	sadd.s32 $0x40, s31;
	s26 =	sadd.s32 $0x50, s31;
	s25 =	sadd.s32 $0x60, s31;
	v23 =	vadd.s32 s22, v6;
	v24 =	vadd.s32 s23, v6;
	v22 =	vadd.s32 s24, v6;
	v14 =	vld.idx.msk [tilespmem:v14+s19+$0x0], $0xffff  }
0x14e: {  	s28 =	sadd.s32 $0x80, s28;
	v25 =	vadd.s32 s29, v6;
	v26 =	vadd.s32 s26, v6;
	v27 =	vadd.s32 s25, v6;
	v7 =	vld.idx.msk [tilespmem:v7+s19+$0x0], $0xffff  }
0x14f: {  	vm6 =	vlt.s32 v17, v4;
	vm5 =	vlt.s32 v18, v4;
	vm7 =	vlt.s32 v16, v4;
	v28 =	vld [tilespmem:s28+$0x30]  }
0x150: {  	vm4 =	vlt.s32 v19, v4;
	vm3 =	vlt.s32 v20, v4;
	vm1 =	vlt.s32 v21, v4;
	v29 =	vld [tilespmem:s28+$0xFFFFFFC0]  }
0x151: {  	vm11 =	vlt.s32 v17, v5;
	vm10 =	vlt.s32 v16, v5;
	v16 =	vor.u32 s0, v2;
	v30 =	vld [tilespmem:s28+$0xFFFFFFD0]  }
0x152: {  	vm12 =	vlt.s32 v18, v5;
	vm9 =	vlt.s32 v19, v5;
	vm13 =	vlt.s32 v16, v5;
	v17 =	vld [tilespmem:s28+$0xFFFFFFE0]  }
0x153: {  	vm8 =	vlt.s32 v20, v5;
	vm14 =	vlt.s32 v16, v4;
	v14 =	vnsel vm13, $0x7F800000, v14;
	v18 =	vld [tilespmem:s28+$0xFFFFFFF0]  }
0x154: {  	s30 =	sadd.s32 $0x80, s30;
	v12 =	vnsel vm2, $0x7F800000, v12;
	vm2 =	vlt.s32 v21, v5;
	v16 =	vld [tilespmem:s28+$0x0];
	v14 =	vsel vm14, v28, v14  }
0x155: {  	v11 =	vnsel vm10, $0x7F800000, v11;
	vm13 =	vgt.s32 v15, $0x0;
	v12 =	vsel vm0, v29, v12;
	v19 =	vld [tilespmem:s28+$0x10];
	[tilespmem:s30+$0x30] =	vst v14  }
0x156: {  	v14 =	vadd.s32 v0, v22;
	[tilespmem:s30+$0xFFFFFFC0] =	vst v12;
	v11 =	vsel vm7, v30, v11;
	v12 =	vnsel vm11, $0x7F800000, v13;
	v13 =	vld [tilespmem:s28+$0x20]  }
0x157: {  	v20 =	vadd.s32 v0, v23;
	[tilespmem:s30+$0xFFFFFFD0] =	vst v11;
	v11 =	vsel vm6, v17, v12;
	v12 =	vnsel vm12, $0x7F800000, v8  }
0x158: {  	v8 =	vadd.s32 v0, v24;
	[tilespmem:s30+$0xFFFFFFE0] =	vst v11;
	v11 =	vsel vm5, v18, v12;
	v12 =	vnsel vm9, $0x7F800000, v9  }
0x159: {  	v9 =	vadd.s32 v0, v25;
	[tilespmem:s30+$0xFFFFFFF0] =	vst v11;
	v11 =	vsel vm4, v16, v12;
	v12 =	vnsel vm8, $0x7F800000, v10  }
.Ltmp8:
0x15a: {  	v10 =	vadd.s32 v0, v26;
	[tilespmem:s30+$0x0] =	vst v11;
	v11 =	vsel vm3, v19, v12;
	v12 =	vnsel vm2, $0x7F800000, v7;
	(pc) =	sbr.rel @p0 .LBB2_11-.Ltmp8, $4  }
0x15b: {  	v15 =	vnsel vm13, $0x0, v15;
	v7 =	vadd.s32 v0, v27;
	[tilespmem:s30+$0x10] =	vst v11;
	v11 =	vsel vm1, v13, v12  }
0x15c: {  	vm0 =	vgt.s32 v8, $0x0;
	vm2 =	vgt.s32 v20, $0x0;
	vm1 =	vgt.s32 v14, $0x0;
	[tilespmem:s30+$0x20] =	vst v11  }
0x15d: {  	v12 =	vmin.u32 v15, $0x100F;
	v11 =	vnsel vm1, $0x0, v14;
	vm1 =	vgt.s32 v9, $0x0  }
0x15e: {  	s31 =	sadd.s32 $0x80, s31;
	s0 =	sadd.s32 $0x70, s21;
	v13 =	vnsel vm2, $0x0, v20;
	vm2 =	vgt.s32 v10, $0x0;
	v11 =	vmin.u32 v11, $0x100F  }
.Ltmp9:
0x15f: {  	_ = 	snop;
	(pc) =	sbr.rel .LBB2_12-.Ltmp9, $1  }
0x160: {  	_ =	sdelay $0x3  }
.LBB2_15:
0x161: {  	_ =	sfence.sel $0x180000  }
0x162: {  	[bflag:$0x0] =	sbarrier.arrive $0xFFFF  }
0x163: {  	_ =	strace $0x90000047  }
0x164: {  	[bflag:$0x2] =	sbarrier.arrive $0xFFFF  }
0x165: {  	p0 =	sne.s32 s4, $0x0;
	s0 =	rddreg [dreg:$0x4]  }
0x166: {  	s0 =	sadd.s32 @!p0 $0x100000, s0  }
0x167: {  	[sflag:s0] =	ssyncadd.tile.s32 @!p0 $0x1;
	_ =	shalt  }
.Lfunc_end2:
_tile_overlayer_lowered:
.L_overlay_start_2:
0x168: {  	(tag) =	ssettag $0x2  }
0x169: {  	s0 =	rddreg [dreg:$0x0];
	s2 =	stileid.u32  }
0x16a: {  	s1 =	rddreg [dreg:$0x1];
	p0 =	sne.s32 s2, $0x0  }
0x16b: {  	s3 =	rddreg [dreg:$0x2];
	[bflag:$0x3] =	sbarrier.arrive $0xFFFF;
	s2 =	simm.s32 @!p0 $0x1C03  }
0x16c: {  	[timem:s3], [sflag:s2] =	dma.local @!p0 [hbm:s0], s1  }
0x16d: {  	s0 =	simm.s32 @!p0 $0x3  }
0x16e: {  	_ =	swait.ge @!p0 [sflag:s0], s1  }
0x16f: {  	s1 =	ssub.s32 @!p0 $0x0, s1;
	[sflag:s0] =	ssyncset.done @!p0 $0x0  }
0x170: {  	[sflag:s0] =	ssyncadd.s32 @!p0 s1  }
0x171: {  	[bflag:$0x3] =	sbarrier.arrive $0xFFFF  }
0x172: {  	_ =	shalt  }

</sc_bundles>
